<compile_context>
chip_gen: v7x
topology: tpu7x:2x2x1
jax: 0.10.2.dev20260603
libtpu: 0.0.44.dev20260713+nightly
codegen_flags: <defaults>
</compile_context>

<pallas_src>
import functools

import jax
import jax.numpy as jnp
from jax import lax
from jax.experimental import pallas as pl
from jax.experimental.pallas import tpu as pltpu
from jax.experimental.pallas import tpu_sc as plsc

D = 512
V = 128
G = 16


@functools.cache
def _make_kernel(N: int):
    info = plsc.get_sparse_core_info()
    NC, NS = info.num_cores, info.num_subcores
    NW = NC * NS
    nw01, nw2 = (NW + 2) // 3, NW - 2 * ((NW + 2) // 3)
    pw01 = N // nw01 // 32 * 32
    pw2 = N // nw2 // 32 * 32
    last01 = N - (nw01 - 1) * pw01
    last2 = N - (nw2 - 1) * pw2
    IMB = max(pw01, pw2, last01, last2)
    mesh = plsc.VectorSubcoreMesh(core_axis_name="c", subcore_axis_name="s")

    @functools.partial(
        pl.kernel,
        mesh=mesh,
        compiler_params=pltpu.CompilerParams(needs_layout_passes=False),
        out_type=jax.ShapeDtypeStruct((N, 3 * D), jnp.float32),
        scratch_types=[
            pltpu.VMEM_SHARED((3 * V, D), jnp.float32),
            pltpu.VMEM((V, D), jnp.float32),
            pltpu.VMEM((IMB,), jnp.int32),
            pltpu.SemaphoreType.DMA,
        ],
    )
    def k(pitch_h, program_h, velocity_h, ptab_h, gtab_h, vtab_h, out_h,
          tabs_s, tab_v, idx_v, wsem):
        sid = lax.axis_index("s")
        wid = sid * NC + lax.axis_index("c")

        t = (wid * 3) // NW
        start_w = (t * NW + 2) // 3
        r = wid - start_w
        per_w = jnp.where(t == 2, pw2, pw01)
        last_r = jnp.where(t == 2, nw2 - 1, nw01 - 1)
        tok_start = r * per_w
        cnt = jnp.where(r == last_r, N - last_r * per_w, per_w)

        @pl.when(sid == 0)
        def _():
            pltpu.sync_copy(ptab_h, tabs_s.at[pl.ds(0, V)])
            pltpu.sync_copy(gtab_h, tabs_s.at[pl.ds(V, V)])
            pltpu.sync_copy(vtab_h, tabs_s.at[pl.ds(2 * V, V)])

        idx_h = (pitch_h, program_h, velocity_h)
        clamp = jnp.minimum(tok_start, N - IMB)
        shift = tok_start - clamp
        for tt in range(3):
            @pl.when(t == tt)
            def _(tt=tt):
                pltpu.sync_copy(idx_h[tt].at[pl.ds(clamp, IMB)], idx_v)

        plsc.subcore_barrier()

        pltpu.sync_copy(tabs_s.at[pl.ds(t * V, V)], tab_v)

        col = t * D

        def body(gi, carry):
            off = gi * G
            idx16 = idx_v[pl.ds(shift + off, G)]
            for l in range(G):
                row = idx16[l]
                pltpu.async_copy(
                    tab_v.at[pl.ds(row, 1), :],
                    out_h.at[pl.ds(tok_start + off + l, 1), pl.ds(col, D)],
                    wsem,
                )
            return carry

        lax.fori_loop(0, cnt // G, body, 0)

        def drain(gi, carry):
            pltpu.make_async_copy(
                tab_v.at[pl.ds(0, G), :],
                out_h.at[pl.ds(0, G), pl.ds(0, D)],
                wsem,
            ).wait()
            return carry

        lax.fori_loop(0, cnt // G, drain, 0)

    return k


def kernel(pitch, program, velocity, pitch_table, program_table, velocity_table):
    B, S = pitch.shape
    N = B * S
    p = pitch.reshape(N).astype(jnp.int32)
    g = program.reshape(N).astype(jnp.int32)
    v = velocity.reshape(N).astype(jnp.int32)
    out = _make_kernel(N)(p, g, v, pitch_table, program_table, velocity_table)
    return out.reshape(B, S, 3 * D)

# --- scband reference (transcript-rebuilt; emitter-appended) ---
"""Pipeline reference for scband-embedding-60705067761785 (READ-ONLY COPY).

The authoritative reference and input builder live on the scoring server;
editing this copy changes nothing except your own understanding.
"""

import jax, jax.numpy as jnp
import numpy as np

NUM_PITCH = 128
NUM_PROGRAM = 128
NUM_VELOCITY = 128
D_MODEL = 512
B, S = 4, 4096


def setup_inputs(seed: int = 0) -> dict:
    key = jax.random.key(seed)
    k1, k2, k3, k4, k5, k6 = jax.random.split(key, 6)
    pitch = jax.random.randint(k1, (B, S), 0, NUM_PITCH, dtype=jnp.int64 if jax.config.jax_enable_x64 else jnp.int32)
    program = jax.random.randint(k2, (B, S), 0, NUM_PROGRAM, dtype=pitch.dtype)
    velocity = jax.random.randint(k3, (B, S), 0, NUM_VELOCITY, dtype=pitch.dtype)
    pitch_table = jax.random.normal(k4, (NUM_PITCH, D_MODEL), dtype=jnp.float32)
    program_table = jax.random.normal(k5, (NUM_PROGRAM, D_MODEL), dtype=jnp.float32)
    velocity_table = jax.random.normal(k6, (NUM_VELOCITY, D_MODEL), dtype=jnp.float32)
    return {
        "pitch": pitch,
        "program": program,
        "velocity": velocity,
        "pitch_table": pitch_table,
        "program_table": program_table,
        "velocity_table": velocity_table,
    }


def reference(pitch, program, velocity, pitch_table, program_table, velocity_table):
    pitch_embed = jnp.take(pitch_table, pitch, axis=0)
    program_embed = jnp.take(program_table, program, axis=0)
    velocity_embed = jnp.take(velocity_table, velocity, axis=0)
    return jnp.concatenate([pitch_embed, program_embed, velocity_embed], axis=-1)

if __name__ == "__main__":
    import jax
    _d = setup_inputs()
    print(jax.jit(kernel)(*tuple(_d.values())))

</pallas_src>

<mosaic_0001>
#map = affine_map<(d0, d1) -> (0)>
#map1 = affine_map<(d0, d1) -> (0, 0)>
module attributes {stable_mosaic.version = 14 : i64} {
  func.func @k(%arg0: i32, %arg1: i32, %arg2: memref<16384xi32, #tpu.memory_space<hbm>>, %arg3: memref<16384xi32, #tpu.memory_space<hbm>>, %arg4: memref<16384xi32, #tpu.memory_space<hbm>>, %arg5: memref<128x512xf32, #tpu.memory_space<hbm>>, %arg6: memref<128x512xf32, #tpu.memory_space<hbm>>, %arg7: memref<128x512xf32, #tpu.memory_space<hbm>>, %arg8: memref<16384x1536xf32, #tpu.memory_space<hbm>>, %arg9: memref<384x512xf32, #tpu.memory_space<vmem_shared>>, %arg10: memref<128x512xf32, #tpu.memory_space<vmem>>, %arg11: memref<1696xi32, #tpu.memory_space<vmem>>, %arg12: memref<!tpu.dma_semaphore, #tpu.memory_space<semaphore_mem>>) attributes {dimension_semantics = [#tpu.dimension_semantics<core_parallel>, #tpu.dimension_semantics<subcore_parallel>], iteration_bounds = array<i64: 2, 16>, scalar_prefetch = 0 : i64, scratch_operands = 4 : i64, tpu.core_type = #tpu.core_type<sc_vector_subcore>, window_params = [{transform_indices = #map}, {transform_indices = #map}, {transform_indices = #map}, {transform_indices = #map1}, {transform_indices = #map1}, {transform_indices = #map1}, {transform_indices = #map1}]} {
    %mul3A = arith.constant 2 : i32
    %mul3A_0 = arith.muli %arg1, %mul3A : i32
    %add3A = arith.addi %mul3A_0, %arg0 : i32
    %mul3A_1 = arith.constant 3 : i32
    %mul3A_2 = arith.muli %add3A, %mul3A_1 : i32
    %jit3A = arith.constant 32 : i32
    %div3A = arith.divsi %mul3A_2, %jit3A : i32
    %sign3A = arith.constant 0 : i32
    %sign3A_3 = arith.cmpi sgt, %mul3A_2, %sign3A : i32
    %sign3A_4 = arith.extui %sign3A_3 : i1 to i32
    %sign3A_5 = arith.constant 0 : i32
    %sign3A_6 = arith.cmpi slt, %mul3A_2, %sign3A_5 : i32
    %sign3A_7 = arith.extui %sign3A_6 : i1 to i32
    %sign3A_8 = arith.subi %sign3A_4, %sign3A_7 : i32
    %sign3A_9 = arith.constant 0 : i32
    %sign3A_10 = arith.cmpi sgt, %jit3A, %sign3A_9 : i32
    %sign3A_11 = arith.extui %sign3A_10 : i1 to i32
    %sign3A_12 = arith.constant 0 : i32
    %sign3A_13 = arith.cmpi slt, %jit3A, %sign3A_12 : i32
    %sign3A_14 = arith.extui %sign3A_13 : i1 to i32
    %sign3A_15 = arith.subi %sign3A_11, %sign3A_14 : i32
    %ne3A = arith.cmpi ne, %sign3A_8, %sign3A_15 : i32
    %rem3A = arith.remsi %mul3A_2, %jit3A : i32
    %ne3A_16 = arith.constant 0 : i32
    %ne3A_17 = arith.cmpi ne, %rem3A, %ne3A_16 : i32
    %and3A = arith.andi %ne3A, %ne3A_17 : i1
    %sub3A = arith.constant 1 : i32
    %sub3A_18 = arith.subi %div3A, %sub3A : i32
    %select_n3A = arith.select %and3A, %sub3A_18, %div3A : i32
    %mul3A_19 = arith.constant 32 : i32
    %mul3A_20 = arith.muli %select_n3A, %mul3A_19 : i32
    %add3A_21 = arith.constant 2 : i32
    %add3A_22 = arith.addi %mul3A_20, %add3A_21 : i32
    %jit3A_23 = arith.constant 3 : i32
    %div3A_24 = arith.divsi %add3A_22, %jit3A_23 : i32
    %sign3A_25 = arith.constant 0 : i32
    %sign3A_26 = arith.cmpi sgt, %add3A_22, %sign3A_25 : i32
    %sign3A_27 = arith.extui %sign3A_26 : i1 to i32
    %sign3A_28 = arith.constant 0 : i32
    %sign3A_29 = arith.cmpi slt, %add3A_22, %sign3A_28 : i32
    %sign3A_30 = arith.extui %sign3A_29 : i1 to i32
    %sign3A_31 = arith.subi %sign3A_27, %sign3A_30 : i32
    %sign3A_32 = arith.constant 0 : i32
    %sign3A_33 = arith.cmpi sgt, %jit3A_23, %sign3A_32 : i32
    %sign3A_34 = arith.extui %sign3A_33 : i1 to i32
    %sign3A_35 = arith.constant 0 : i32
    %sign3A_36 = arith.cmpi slt, %jit3A_23, %sign3A_35 : i32
    %sign3A_37 = arith.extui %sign3A_36 : i1 to i32
    %sign3A_38 = arith.subi %sign3A_34, %sign3A_37 : i32
    %ne3A_39 = arith.cmpi ne, %sign3A_31, %sign3A_38 : i32
    %rem3A_40 = arith.remsi %add3A_22, %jit3A_23 : i32
    %ne3A_41 = arith.constant 0 : i32
    %ne3A_42 = arith.cmpi ne, %rem3A_40, %ne3A_41 : i32
    %and3A_43 = arith.andi %ne3A_39, %ne3A_42 : i1
    %sub3A_44 = arith.constant 1 : i32
    %sub3A_45 = arith.subi %div3A_24, %sub3A_44 : i32
    %select_n3A_46 = arith.select %and3A_43, %sub3A_45, %div3A_24 : i32
    %sub3A_47 = arith.subi %add3A, %select_n3A_46 : i32
    %eq3A = arith.constant 2 : i32
    %eq3A_48 = arith.cmpi eq, %select_n3A, %eq3A : i32
    %jit3A_49 = arith.constant 1632 : i32
    %jit3A_50 = arith.constant 1472 : i32
    %select_n3A_51 = arith.select %eq3A_48, %jit3A_49, %jit3A_50 : i32
    %eq3A_52 = arith.constant 2 : i32
    %eq3A_53 = arith.cmpi eq, %select_n3A, %eq3A_52 : i32
    %jit3A_54 = arith.constant 9 : i32
    %jit3A_55 = arith.constant 10 : i32
    %select_n3A_56 = arith.select %eq3A_53, %jit3A_54, %jit3A_55 : i32
    %mul3A_57 = arith.muli %sub3A_47, %select_n3A_51 : i32
    %eq3A_58 = arith.cmpi eq, %sub3A_47, %select_n3A_56 : i32
    %mul3A_59 = arith.muli %select_n3A_56, %select_n3A_51 : i32
    %sub3A_60 = arith.constant 16384 : i32
    %sub3A_61 = arith.subi %sub3A_60, %mul3A_59 : i32
    %select_n3A_62 = arith.select %eq3A_58, %sub3A_61, %select_n3A_51 : i32
    %eq3A_63 = arith.constant 0 : i32
    %eq3A_64 = arith.cmpi eq, %arg1, %eq3A_63 : i32
    %convert_element_type3A = arith.extui %eq3A_64 : i1 to i32
    %cond3A = arith.constant 0 : i32
    %cond3A_65 = arith.cmpi ne, %convert_element_type3A, %cond3A : i32
    scf.if %cond3A_65 {
      "tpu.region"() ({
        %run_scoped3A = tpu.sem_alloc : memref<!tpu.dma_semaphore, #tpu.memory_space<semaphore_mem>>
        %dma_start3A = arith.constant 0 : i32
        %dma_start3A_154 = arith.constant 0 : i32
        %dma_start3A_155 = tpu.memref_slice %arg9[%dma_start3A, %dma_start3A_154] : memref<384x512xf32, #tpu.memory_space<vmem_shared>> -> memref<128x512xf32, #tpu.memory_space<vmem_shared>>
        tpu.enqueue_dma source(%arg5 : memref<128x512xf32, #tpu.memory_space<hbm>>) target(%dma_start3A_155 : memref<128x512xf32, #tpu.memory_space<vmem_shared>>) target_semaphore(%run_scoped3A : memref<!tpu.dma_semaphore, #tpu.memory_space<semaphore_mem>>)
        %dma_wait3A = arith.constant 0 : i32
        %dma_wait3A_156 = arith.constant 0 : i32
        %dma_wait3A_157 = tpu.memref_slice %arg9[%dma_wait3A, %dma_wait3A_156] : memref<384x512xf32, #tpu.memory_space<vmem_shared>> -> memref<128x512xf32, #tpu.memory_space<vmem_shared>>
        tpu.wait_dma2 semaphore(%run_scoped3A : memref<!tpu.dma_semaphore, #tpu.memory_space<semaphore_mem>>) src(%arg5 : memref<128x512xf32, #tpu.memory_space<hbm>>) dst(%dma_wait3A_157 : memref<128x512xf32, #tpu.memory_space<vmem_shared>>)
        tpu.yield
      }) : () -> ()
      "tpu.region"() ({
        %run_scoped3A = tpu.sem_alloc : memref<!tpu.dma_semaphore, #tpu.memory_space<semaphore_mem>>
        %dma_start3A = arith.constant 128 : i32
        %dma_start3A_154 = arith.constant 0 : i32
        %dma_start3A_155 = tpu.memref_slice %arg9[%dma_start3A, %dma_start3A_154] : memref<384x512xf32, #tpu.memory_space<vmem_shared>> -> memref<128x512xf32, #tpu.memory_space<vmem_shared>>
        tpu.enqueue_dma source(%arg6 : memref<128x512xf32, #tpu.memory_space<hbm>>) target(%dma_start3A_155 : memref<128x512xf32, #tpu.memory_space<vmem_shared>>) target_semaphore(%run_scoped3A : memref<!tpu.dma_semaphore, #tpu.memory_space<semaphore_mem>>)
        %dma_wait3A = arith.constant 128 : i32
        %dma_wait3A_156 = arith.constant 0 : i32
        %dma_wait3A_157 = tpu.memref_slice %arg9[%dma_wait3A, %dma_wait3A_156] : memref<384x512xf32, #tpu.memory_space<vmem_shared>> -> memref<128x512xf32, #tpu.memory_space<vmem_shared>>
        tpu.wait_dma2 semaphore(%run_scoped3A : memref<!tpu.dma_semaphore, #tpu.memory_space<semaphore_mem>>) src(%arg6 : memref<128x512xf32, #tpu.memory_space<hbm>>) dst(%dma_wait3A_157 : memref<128x512xf32, #tpu.memory_space<vmem_shared>>)
        tpu.yield
      }) : () -> ()
      "tpu.region"() ({
        %run_scoped3A = tpu.sem_alloc : memref<!tpu.dma_semaphore, #tpu.memory_space<semaphore_mem>>
        %dma_start3A = arith.constant 256 : i32
        %dma_start3A_154 = arith.constant 0 : i32
        %dma_start3A_155 = tpu.memref_slice %arg9[%dma_start3A, %dma_start3A_154] : memref<384x512xf32, #tpu.memory_space<vmem_shared>> -> memref<128x512xf32, #tpu.memory_space<vmem_shared>>
        tpu.enqueue_dma source(%arg7 : memref<128x512xf32, #tpu.memory_space<hbm>>) target(%dma_start3A_155 : memref<128x512xf32, #tpu.memory_space<vmem_shared>>) target_semaphore(%run_scoped3A : memref<!tpu.dma_semaphore, #tpu.memory_space<semaphore_mem>>)
        %dma_wait3A = arith.constant 256 : i32
        %dma_wait3A_156 = arith.constant 0 : i32
        %dma_wait3A_157 = tpu.memref_slice %arg9[%dma_wait3A, %dma_wait3A_156] : memref<384x512xf32, #tpu.memory_space<vmem_shared>> -> memref<128x512xf32, #tpu.memory_space<vmem_shared>>
        tpu.wait_dma2 semaphore(%run_scoped3A : memref<!tpu.dma_semaphore, #tpu.memory_space<semaphore_mem>>) src(%arg7 : memref<128x512xf32, #tpu.memory_space<hbm>>) dst(%dma_wait3A_157 : memref<128x512xf32, #tpu.memory_space<vmem_shared>>)
        tpu.yield
      }) : () -> ()
    } else {
    }
    %min3A = arith.constant 14688 : i32
    %min3A_66 = arith.minsi %mul3A_57, %min3A : i32
    %sub3A_67 = arith.subi %mul3A_57, %min3A_66 : i32
    %eq3A_68 = arith.constant 0 : i32
    %eq3A_69 = arith.cmpi eq, %select_n3A, %eq3A_68 : i32
    %convert_element_type3A_70 = arith.extui %eq3A_69 : i1 to i32
    %cond3A_71 = arith.constant 0 : i32
    %cond3A_72 = arith.cmpi ne, %convert_element_type3A_70, %cond3A_71 : i32
    scf.if %cond3A_72 {
      "tpu.region"() ({
        %run_scoped3A = tpu.sem_alloc : memref<!tpu.dma_semaphore, #tpu.memory_space<semaphore_mem>>
        %dma_start3A = tpu.memref_slice %arg2[%min3A_66] : memref<16384xi32, #tpu.memory_space<hbm>> -> memref<1696xi32, #tpu.memory_space<hbm>>
        %dma_start3A_154 = tpu.memref_slice %arg2[%min3A_66] : memref<16384xi32, #tpu.memory_space<hbm>> -> memref<1696xi32, #tpu.memory_space<hbm>>
        tpu.enqueue_dma source(%dma_start3A_154 : memref<1696xi32, #tpu.memory_space<hbm>>) target(%arg11 : memref<1696xi32, #tpu.memory_space<vmem>>) target_semaphore(%run_scoped3A : memref<!tpu.dma_semaphore, #tpu.memory_space<semaphore_mem>>)
        %dma_wait3A = tpu.memref_slice %arg2[%min3A_66] : memref<16384xi32, #tpu.memory_space<hbm>> -> memref<1696xi32, #tpu.memory_space<hbm>>
        %dma_wait3A_155 = tpu.memref_slice %arg2[%min3A_66] : memref<16384xi32, #tpu.memory_space<hbm>> -> memref<1696xi32, #tpu.memory_space<hbm>>
        tpu.wait_dma2 semaphore(%run_scoped3A : memref<!tpu.dma_semaphore, #tpu.memory_space<semaphore_mem>>) src(%dma_wait3A_155 : memref<1696xi32, #tpu.memory_space<hbm>>) dst(%arg11 : memref<1696xi32, #tpu.memory_space<vmem>>)
        tpu.yield
      }) : () -> ()
    } else {
    }
    %eq3A_73 = arith.constant 1 : i32
    %eq3A_74 = arith.cmpi eq, %select_n3A, %eq3A_73 : i32
    %convert_element_type3A_75 = arith.extui %eq3A_74 : i1 to i32
    %cond3A_76 = arith.constant 0 : i32
    %cond3A_77 = arith.cmpi ne, %convert_element_type3A_75, %cond3A_76 : i32
    scf.if %cond3A_77 {
      "tpu.region"() ({
        %run_scoped3A = tpu.sem_alloc : memref<!tpu.dma_semaphore, #tpu.memory_space<semaphore_mem>>
        %dma_start3A = tpu.memref_slice %arg3[%min3A_66] : memref<16384xi32, #tpu.memory_space<hbm>> -> memref<1696xi32, #tpu.memory_space<hbm>>
        %dma_start3A_154 = tpu.memref_slice %arg3[%min3A_66] : memref<16384xi32, #tpu.memory_space<hbm>> -> memref<1696xi32, #tpu.memory_space<hbm>>
        tpu.enqueue_dma source(%dma_start3A_154 : memref<1696xi32, #tpu.memory_space<hbm>>) target(%arg11 : memref<1696xi32, #tpu.memory_space<vmem>>) target_semaphore(%run_scoped3A : memref<!tpu.dma_semaphore, #tpu.memory_space<semaphore_mem>>)
        %dma_wait3A = tpu.memref_slice %arg3[%min3A_66] : memref<16384xi32, #tpu.memory_space<hbm>> -> memref<1696xi32, #tpu.memory_space<hbm>>
        %dma_wait3A_155 = tpu.memref_slice %arg3[%min3A_66] : memref<16384xi32, #tpu.memory_space<hbm>> -> memref<1696xi32, #tpu.memory_space<hbm>>
        tpu.wait_dma2 semaphore(%run_scoped3A : memref<!tpu.dma_semaphore, #tpu.memory_space<semaphore_mem>>) src(%dma_wait3A_155 : memref<1696xi32, #tpu.memory_space<hbm>>) dst(%arg11 : memref<1696xi32, #tpu.memory_space<vmem>>)
        tpu.yield
      }) : () -> ()
    } else {
    }
    %eq3A_78 = arith.constant 2 : i32
    %eq3A_79 = arith.cmpi eq, %select_n3A, %eq3A_78 : i32
    %convert_element_type3A_80 = arith.extui %eq3A_79 : i1 to i32
    %cond3A_81 = arith.constant 0 : i32
    %cond3A_82 = arith.cmpi ne, %convert_element_type3A_80, %cond3A_81 : i32
    scf.if %cond3A_82 {
      "tpu.region"() ({
        %run_scoped3A = tpu.sem_alloc : memref<!tpu.dma_semaphore, #tpu.memory_space<semaphore_mem>>
        %dma_start3A = tpu.memref_slice %arg4[%min3A_66] : memref<16384xi32, #tpu.memory_space<hbm>> -> memref<1696xi32, #tpu.memory_space<hbm>>
        %dma_start3A_154 = tpu.memref_slice %arg4[%min3A_66] : memref<16384xi32, #tpu.memory_space<hbm>> -> memref<1696xi32, #tpu.memory_space<hbm>>
        tpu.enqueue_dma source(%dma_start3A_154 : memref<1696xi32, #tpu.memory_space<hbm>>) target(%arg11 : memref<1696xi32, #tpu.memory_space<vmem>>) target_semaphore(%run_scoped3A : memref<!tpu.dma_semaphore, #tpu.memory_space<semaphore_mem>>)
        %dma_wait3A = tpu.memref_slice %arg4[%min3A_66] : memref<16384xi32, #tpu.memory_space<hbm>> -> memref<1696xi32, #tpu.memory_space<hbm>>
        %dma_wait3A_155 = tpu.memref_slice %arg4[%min3A_66] : memref<16384xi32, #tpu.memory_space<hbm>> -> memref<1696xi32, #tpu.memory_space<hbm>>
        tpu.wait_dma2 semaphore(%run_scoped3A : memref<!tpu.dma_semaphore, #tpu.memory_space<semaphore_mem>>) src(%dma_wait3A_155 : memref<1696xi32, #tpu.memory_space<hbm>>) dst(%arg11 : memref<1696xi32, #tpu.memory_space<vmem>>)
        tpu.yield
      }) : () -> ()
    } else {
    }
    %barrier3A = arith.constant 0 : index
    tpu.barrier barrier_id(%barrier3A)
    %mul3A_83 = arith.constant 128 : i32
    %mul3A_84 = arith.muli %select_n3A, %mul3A_83 : i32
    "tpu.region"() ({
      %run_scoped3A = tpu.sem_alloc : memref<!tpu.dma_semaphore, #tpu.memory_space<semaphore_mem>>
      %dma_start3A = arith.constant 0 : i32
      %dma_start3A_154 = tpu.memref_slice %arg9[%mul3A_84, %dma_start3A] : memref<384x512xf32, #tpu.memory_space<vmem_shared>> -> memref<128x512xf32, #tpu.memory_space<vmem_shared>>
      %dma_start3A_155 = arith.constant 0 : i32
      %dma_start3A_156 = tpu.memref_slice %arg9[%mul3A_84, %dma_start3A_155] : memref<384x512xf32, #tpu.memory_space<vmem_shared>> -> memref<128x512xf32, #tpu.memory_space<vmem_shared>>
      tpu.enqueue_dma source(%dma_start3A_156 : memref<128x512xf32, #tpu.memory_space<vmem_shared>>) target(%arg10 : memref<128x512xf32, #tpu.memory_space<vmem>>) target_semaphore(%run_scoped3A : memref<!tpu.dma_semaphore, #tpu.memory_space<semaphore_mem>>)
      %dma_wait3A = arith.constant 0 : i32
      %dma_wait3A_157 = tpu.memref_slice %arg9[%mul3A_84, %dma_wait3A] : memref<384x512xf32, #tpu.memory_space<vmem_shared>> -> memref<128x512xf32, #tpu.memory_space<vmem_shared>>
      %dma_wait3A_158 = arith.constant 0 : i32
      %dma_wait3A_159 = tpu.memref_slice %arg9[%mul3A_84, %dma_wait3A_158] : memref<384x512xf32, #tpu.memory_space<vmem_shared>> -> memref<128x512xf32, #tpu.memory_space<vmem_shared>>
      tpu.wait_dma2 semaphore(%run_scoped3A : memref<!tpu.dma_semaphore, #tpu.memory_space<semaphore_mem>>) src(%dma_wait3A_159 : memref<128x512xf32, #tpu.memory_space<vmem_shared>>) dst(%arg10 : memref<128x512xf32, #tpu.memory_space<vmem>>)
      tpu.yield
    }) : () -> ()
    %mul3A_85 = arith.constant 512 : i32
    %mul3A_86 = arith.muli %select_n3A, %mul3A_85 : i32
    %jit3A_87 = arith.constant 16 : i32
    %div3A_88 = arith.divsi %select_n3A_62, %jit3A_87 : i32
    %sign3A_89 = arith.constant 0 : i32
    %sign3A_90 = arith.cmpi sgt, %select_n3A_62, %sign3A_89 : i32
    %sign3A_91 = arith.extui %sign3A_90 : i1 to i32
    %sign3A_92 = arith.constant 0 : i32
    %sign3A_93 = arith.cmpi slt, %select_n3A_62, %sign3A_92 : i32
    %sign3A_94 = arith.extui %sign3A_93 : i1 to i32
    %sign3A_95 = arith.subi %sign3A_91, %sign3A_94 : i32
    %sign3A_96 = arith.constant 0 : i32
    %sign3A_97 = arith.cmpi sgt, %jit3A_87, %sign3A_96 : i32
    %sign3A_98 = arith.extui %sign3A_97 : i1 to i32
    %sign3A_99 = arith.constant 0 : i32
    %sign3A_100 = arith.cmpi slt, %jit3A_87, %sign3A_99 : i32
    %sign3A_101 = arith.extui %sign3A_100 : i1 to i32
    %sign3A_102 = arith.subi %sign3A_98, %sign3A_101 : i32
    %ne3A_103 = arith.cmpi ne, %sign3A_95, %sign3A_102 : i32
    %rem3A_104 = arith.remsi %select_n3A_62, %jit3A_87 : i32
    %ne3A_105 = arith.constant 0 : i32
    %ne3A_106 = arith.cmpi ne, %rem3A_104, %ne3A_105 : i32
    %and3A_107 = arith.andi %ne3A_103, %ne3A_106 : i1
    %sub3A_108 = arith.constant 1 : i32
    %sub3A_109 = arith.subi %div3A_88, %sub3A_108 : i32
    %select_n3A_110 = arith.select %and3A_107, %sub3A_109, %div3A_88 : i32
    %while3A = arith.constant 0 : i32
    %while3A_111 = arith.constant 0 : i32
    %while3A_112 = arith.subi %select_n3A_110, %while3A_111 : i32
    %while3A_113 = arith.addi %while3A_111, %while3A_112 : i32
    %while3A_114 = arith.constant 1 : i32
    %while3A_115 = arith.divsi %while3A_112, %while3A_114 : i32
    %while3A_116 = arith.muli %while3A_115, %while3A_114 : i32
    %while3A_117 = arith.addi %while3A_111, %while3A_116 : i32
    %while3A_118 = arith.constant 1 : i32
    scf.for %while3A_154 = %while3A_111 to %while3A_117 step %while3A_118  : i32 {
      %mul3A_155 = arith.constant 16 : i32
      %mul3A_156 = arith.muli %while3A_154, %mul3A_155 : i32
      %add3A_157 = arith.addi %sub3A_67, %mul3A_156 : i32
      %get3A = arith.index_cast %add3A_157 : i32 to index
      %get3A_158 = tpu.vector_load %arg11[%get3A] {strides = array<i32>} : memref<1696xi32, #tpu.memory_space<vmem>>, vector<16xi32>,
      %slice3A = vector.extract_strided_slice %get3A_158 {offsets = [0], sizes = [1], strides = [1]} : vector<16xi32> to vector<1xi32>
      %squeeze3A = vector.extract %slice3A[0] : i32 from vector<1xi32>
      %add3A_159 = arith.addi %mul3A_57, %mul3A_156 : i32
      %add3A_160 = arith.constant 0 : i32
      %add3A_161 = arith.addi %add3A_159, %add3A_160 : i32
      %dma_start3A = arith.constant 0 : i32
      %dma_start3A_162 = tpu.memref_slice %arg10[%squeeze3A, %dma_start3A] : memref<128x512xf32, #tpu.memory_space<vmem>> -> memref<1x512xf32, #tpu.memory_space<vmem>>
      %dma_start3A_163 = tpu.memref_slice %arg8[%add3A_161, %mul3A_86] : memref<16384x1536xf32, #tpu.memory_space<hbm>> -> memref<1x512xf32, #tpu.memory_space<hbm>>
      %dma_start3A_164 = tpu.memref_slice %arg8[%add3A_161, %mul3A_86] : memref<16384x1536xf32, #tpu.memory_space<hbm>> -> memref<1x512xf32, #tpu.memory_space<hbm>>
      %dma_start3A_165 = arith.constant 0 : i32
      %dma_start3A_166 = tpu.memref_slice %arg10[%squeeze3A, %dma_start3A_165] : memref<128x512xf32, #tpu.memory_space<vmem>> -> memref<1x512xf32, #tpu.memory_space<vmem>>
      tpu.enqueue_dma source(%dma_start3A_166 : memref<1x512xf32, #tpu.memory_space<vmem>>) target(%dma_start3A_164 : memref<1x512xf32, #tpu.memory_space<hbm>>) target_semaphore(%arg12 : memref<!tpu.dma_semaphore, #tpu.memory_space<semaphore_mem>>)
      %slice3A_167 = vector.extract_strided_slice %get3A_158 {offsets = [1], sizes = [1], strides = [1]} : vector<16xi32> to vector<1xi32>
      %squeeze3A_168 = vector.extract %slice3A_167[0] : i32 from vector<1xi32>
      %add3A_169 = arith.addi %mul3A_57, %mul3A_156 : i32
      %add3A_170 = arith.constant 1 : i32
      %add3A_171 = arith.addi %add3A_169, %add3A_170 : i32
      %dma_start3A_172 = arith.constant 0 : i32
      %dma_start3A_173 = tpu.memref_slice %arg10[%squeeze3A_168, %dma_start3A_172] : memref<128x512xf32, #tpu.memory_space<vmem>> -> memref<1x512xf32, #tpu.memory_space<vmem>>
      %dma_start3A_174 = tpu.memref_slice %arg8[%add3A_171, %mul3A_86] : memref<16384x1536xf32, #tpu.memory_space<hbm>> -> memref<1x512xf32, #tpu.memory_space<hbm>>
      %dma_start3A_175 = tpu.memref_slice %arg8[%add3A_171, %mul3A_86] : memref<16384x1536xf32, #tpu.memory_space<hbm>> -> memref<1x512xf32, #tpu.memory_space<hbm>>
      %dma_start3A_176 = arith.constant 0 : i32
      %dma_start3A_177 = tpu.memref_slice %arg10[%squeeze3A_168, %dma_start3A_176] : memref<128x512xf32, #tpu.memory_space<vmem>> -> memref<1x512xf32, #tpu.memory_space<vmem>>
      tpu.enqueue_dma source(%dma_start3A_177 : memref<1x512xf32, #tpu.memory_space<vmem>>) target(%dma_start3A_175 : memref<1x512xf32, #tpu.memory_space<hbm>>) target_semaphore(%arg12 : memref<!tpu.dma_semaphore, #tpu.memory_space<semaphore_mem>>)
      %slice3A_178 = vector.extract_strided_slice %get3A_158 {offsets = [2], sizes = [1], strides = [1]} : vector<16xi32> to vector<1xi32>
      %squeeze3A_179 = vector.extract %slice3A_178[0] : i32 from vector<1xi32>
      %add3A_180 = arith.addi %mul3A_57, %mul3A_156 : i32
      %add3A_181 = arith.constant 2 : i32
      %add3A_182 = arith.addi %add3A_180, %add3A_181 : i32
      %dma_start3A_183 = arith.constant 0 : i32
      %dma_start3A_184 = tpu.memref_slice %arg10[%squeeze3A_179, %dma_start3A_183] : memref<128x512xf32, #tpu.memory_space<vmem>> -> memref<1x512xf32, #tpu.memory_space<vmem>>
      %dma_start3A_185 = tpu.memref_slice %arg8[%add3A_182, %mul3A_86] : memref<16384x1536xf32, #tpu.memory_space<hbm>> -> memref<1x512xf32, #tpu.memory_space<hbm>>
      %dma_start3A_186 = tpu.memref_slice %arg8[%add3A_182, %mul3A_86] : memref<16384x1536xf32, #tpu.memory_space<hbm>> -> memref<1x512xf32, #tpu.memory_space<hbm>>
      %dma_start3A_187 = arith.constant 0 : i32
      %dma_start3A_188 = tpu.memref_slice %arg10[%squeeze3A_179, %dma_start3A_187] : memref<128x512xf32, #tpu.memory_space<vmem>> -> memref<1x512xf32, #tpu.memory_space<vmem>>
      tpu.enqueue_dma source(%dma_start3A_188 : memref<1x512xf32, #tpu.memory_space<vmem>>) target(%dma_start3A_186 : memref<1x512xf32, #tpu.memory_space<hbm>>) target_semaphore(%arg12 : memref<!tpu.dma_semaphore, #tpu.memory_space<semaphore_mem>>)
      %slice3A_189 = vector.extract_strided_slice %get3A_158 {offsets = [3], sizes = [1], strides = [1]} : vector<16xi32> to vector<1xi32>
      %squeeze3A_190 = vector.extract %slice3A_189[0] : i32 from vector<1xi32>
      %add3A_191 = arith.addi %mul3A_57, %mul3A_156 : i32
      %add3A_192 = arith.constant 3 : i32
      %add3A_193 = arith.addi %add3A_191, %add3A_192 : i32
      %dma_start3A_194 = arith.constant 0 : i32
      %dma_start3A_195 = tpu.memref_slice %arg10[%squeeze3A_190, %dma_start3A_194] : memref<128x512xf32, #tpu.memory_space<vmem>> -> memref<1x512xf32, #tpu.memory_space<vmem>>
      %dma_start3A_196 = tpu.memref_slice %arg8[%add3A_193, %mul3A_86] : memref<16384x1536xf32, #tpu.memory_space<hbm>> -> memref<1x512xf32, #tpu.memory_space<hbm>>
      %dma_start3A_197 = tpu.memref_slice %arg8[%add3A_193, %mul3A_86] : memref<16384x1536xf32, #tpu.memory_space<hbm>> -> memref<1x512xf32, #tpu.memory_space<hbm>>
      %dma_start3A_198 = arith.constant 0 : i32
      %dma_start3A_199 = tpu.memref_slice %arg10[%squeeze3A_190, %dma_start3A_198] : memref<128x512xf32, #tpu.memory_space<vmem>> -> memref<1x512xf32, #tpu.memory_space<vmem>>
      tpu.enqueue_dma source(%dma_start3A_199 : memref<1x512xf32, #tpu.memory_space<vmem>>) target(%dma_start3A_197 : memref<1x512xf32, #tpu.memory_space<hbm>>) target_semaphore(%arg12 : memref<!tpu.dma_semaphore, #tpu.memory_space<semaphore_mem>>)
      %slice3A_200 = vector.extract_strided_slice %get3A_158 {offsets = [4], sizes = [1], strides = [1]} : vector<16xi32> to vector<1xi32>
      %squeeze3A_201 = vector.extract %slice3A_200[0] : i32 from vector<1xi32>
      %add3A_202 = arith.addi %mul3A_57, %mul3A_156 : i32
      %add3A_203 = arith.constant 4 : i32
      %add3A_204 = arith.addi %add3A_202, %add3A_203 : i32
      %dma_start3A_205 = arith.constant 0 : i32
      %dma_start3A_206 = tpu.memref_slice %arg10[%squeeze3A_201, %dma_start3A_205] : memref<128x512xf32, #tpu.memory_space<vmem>> -> memref<1x512xf32, #tpu.memory_space<vmem>>
      %dma_start3A_207 = tpu.memref_slice %arg8[%add3A_204, %mul3A_86] : memref<16384x1536xf32, #tpu.memory_space<hbm>> -> memref<1x512xf32, #tpu.memory_space<hbm>>
      %dma_start3A_208 = tpu.memref_slice %arg8[%add3A_204, %mul3A_86] : memref<16384x1536xf32, #tpu.memory_space<hbm>> -> memref<1x512xf32, #tpu.memory_space<hbm>>
      %dma_start3A_209 = arith.constant 0 : i32
      %dma_start3A_210 = tpu.memref_slice %arg10[%squeeze3A_201, %dma_start3A_209] : memref<128x512xf32, #tpu.memory_space<vmem>> -> memref<1x512xf32, #tpu.memory_space<vmem>>
      tpu.enqueue_dma source(%dma_start3A_210 : memref<1x512xf32, #tpu.memory_space<vmem>>) target(%dma_start3A_208 : memref<1x512xf32, #tpu.memory_space<hbm>>) target_semaphore(%arg12 : memref<!tpu.dma_semaphore, #tpu.memory_space<semaphore_mem>>)
      %slice3A_211 = vector.extract_strided_slice %get3A_158 {offsets = [5], sizes = [1], strides = [1]} : vector<16xi32> to vector<1xi32>
      %squeeze3A_212 = vector.extract %slice3A_211[0] : i32 from vector<1xi32>
      %add3A_213 = arith.addi %mul3A_57, %mul3A_156 : i32
      %add3A_214 = arith.constant 5 : i32
      %add3A_215 = arith.addi %add3A_213, %add3A_214 : i32
      %dma_start3A_216 = arith.constant 0 : i32
      %dma_start3A_217 = tpu.memref_slice %arg10[%squeeze3A_212, %dma_start3A_216] : memref<128x512xf32, #tpu.memory_space<vmem>> -> memref<1x512xf32, #tpu.memory_space<vmem>>
      %dma_start3A_218 = tpu.memref_slice %arg8[%add3A_215, %mul3A_86] : memref<16384x1536xf32, #tpu.memory_space<hbm>> -> memref<1x512xf32, #tpu.memory_space<hbm>>
      %dma_start3A_219 = tpu.memref_slice %arg8[%add3A_215, %mul3A_86] : memref<16384x1536xf32, #tpu.memory_space<hbm>> -> memref<1x512xf32, #tpu.memory_space<hbm>>
      %dma_start3A_220 = arith.constant 0 : i32
      %dma_start3A_221 = tpu.memref_slice %arg10[%squeeze3A_212, %dma_start3A_220] : memref<128x512xf32, #tpu.memory_space<vmem>> -> memref<1x512xf32, #tpu.memory_space<vmem>>
      tpu.enqueue_dma source(%dma_start3A_221 : memref<1x512xf32, #tpu.memory_space<vmem>>) target(%dma_start3A_219 : memref<1x512xf32, #tpu.memory_space<hbm>>) target_semaphore(%arg12 : memref<!tpu.dma_semaphore, #tpu.memory_space<semaphore_mem>>)
      %slice3A_222 = vector.extract_strided_slice %get3A_158 {offsets = [6], sizes = [1], strides = [1]} : vector<16xi32> to vector<1xi32>
      %squeeze3A_223 = vector.extract %slice3A_222[0] : i32 from vector<1xi32>
      %add3A_224 = arith.addi %mul3A_57, %mul3A_156 : i32
      %add3A_225 = arith.constant 6 : i32
      %add3A_226 = arith.addi %add3A_224, %add3A_225 : i32
      %dma_start3A_227 = arith.constant 0 : i32
      %dma_start3A_228 = tpu.memref_slice %arg10[%squeeze3A_223, %dma_start3A_227] : memref<128x512xf32, #tpu.memory_space<vmem>> -> memref<1x512xf32, #tpu.memory_space<vmem>>
      %dma_start3A_229 = tpu.memref_slice %arg8[%add3A_226, %mul3A_86] : memref<16384x1536xf32, #tpu.memory_space<hbm>> -> memref<1x512xf32, #tpu.memory_space<hbm>>
      %dma_start3A_230 = tpu.memref_slice %arg8[%add3A_226, %mul3A_86] : memref<16384x1536xf32, #tpu.memory_space<hbm>> -> memref<1x512xf32, #tpu.memory_space<hbm>>
      %dma_start3A_231 = arith.constant 0 : i32
      %dma_start3A_232 = tpu.memref_slice %arg10[%squeeze3A_223, %dma_start3A_231] : memref<128x512xf32, #tpu.memory_space<vmem>> -> memref<1x512xf32, #tpu.memory_space<vmem>>
      tpu.enqueue_dma source(%dma_start3A_232 : memref<1x512xf32, #tpu.memory_space<vmem>>) target(%dma_start3A_230 : memref<1x512xf32, #tpu.memory_space<hbm>>) target_semaphore(%arg12 : memref<!tpu.dma_semaphore, #tpu.memory_space<semaphore_mem>>)
      %slice3A_233 = vector.extract_strided_slice %get3A_158 {offsets = [7], sizes = [1], strides = [1]} : vector<16xi32> to vector<1xi32>
      %squeeze3A_234 = vector.extract %slice3A_233[0] : i32 from vector<1xi32>
      %add3A_235 = arith.addi %mul3A_57, %mul3A_156 : i32
      %add3A_236 = arith.constant 7 : i32
      %add3A_237 = arith.addi %add3A_235, %add3A_236 : i32
      %dma_start3A_238 = arith.constant 0 : i32
      %dma_start3A_239 = tpu.memref_slice %arg10[%squeeze3A_234, %dma_start3A_238] : memref<128x512xf32, #tpu.memory_space<vmem>> -> memref<1x512xf32, #tpu.memory_space<vmem>>
      %dma_start3A_240 = tpu.memref_slice %arg8[%add3A_237, %mul3A_86] : memref<16384x1536xf32, #tpu.memory_space<hbm>> -> memref<1x512xf32, #tpu.memory_space<hbm>>
      %dma_start3A_241 = tpu.memref_slice %arg8[%add3A_237, %mul3A_86] : memref<16384x1536xf32, #tpu.memory_space<hbm>> -> memref<1x512xf32, #tpu.memory_space<hbm>>
      %dma_start3A_242 = arith.constant 0 : i32
      %dma_start3A_243 = tpu.memref_slice %arg10[%squeeze3A_234, %dma_start3A_242] : memref<128x512xf32, #tpu.memory_space<vmem>> -> memref<1x512xf32, #tpu.memory_space<vmem>>
      tpu.enqueue_dma source(%dma_start3A_243 : memref<1x512xf32, #tpu.memory_space<vmem>>) target(%dma_start3A_241 : memref<1x512xf32, #tpu.memory_space<hbm>>) target_semaphore(%arg12 : memref<!tpu.dma_semaphore, #tpu.memory_space<semaphore_mem>>)
      %slice3A_244 = vector.extract_strided_slice %get3A_158 {offsets = [8], sizes = [1], strides = [1]} : vector<16xi32> to vector<1xi32>
      %squeeze3A_245 = vector.extract %slice3A_244[0] : i32 from vector<1xi32>
      %add3A_246 = arith.addi %mul3A_57, %mul3A_156 : i32
      %add3A_247 = arith.constant 8 : i32
      %add3A_248 = arith.addi %add3A_246, %add3A_247 : i32
      %dma_start3A_249 = arith.constant 0 : i32
      %dma_start3A_250 = tpu.memref_slice %arg10[%squeeze3A_245, %dma_start3A_249] : memref<128x512xf32, #tpu.memory_space<vmem>> -> memref<1x512xf32, #tpu.memory_space<vmem>>
      %dma_start3A_251 = tpu.memref_slice %arg8[%add3A_248, %mul3A_86] : memref<16384x1536xf32, #tpu.memory_space<hbm>> -> memref<1x512xf32, #tpu.memory_space<hbm>>
      %dma_start3A_252 = tpu.memref_slice %arg8[%add3A_248, %mul3A_86] : memref<16384x1536xf32, #tpu.memory_space<hbm>> -> memref<1x512xf32, #tpu.memory_space<hbm>>
      %dma_start3A_253 = arith.constant 0 : i32
      %dma_start3A_254 = tpu.memref_slice %arg10[%squeeze3A_245, %dma_start3A_253] : memref<128x512xf32, #tpu.memory_space<vmem>> -> memref<1x512xf32, #tpu.memory_space<vmem>>
      tpu.enqueue_dma source(%dma_start3A_254 : memref<1x512xf32, #tpu.memory_space<vmem>>) target(%dma_start3A_252 : memref<1x512xf32, #tpu.memory_space<hbm>>) target_semaphore(%arg12 : memref<!tpu.dma_semaphore, #tpu.memory_space<semaphore_mem>>)
      %slice3A_255 = vector.extract_strided_slice %get3A_158 {offsets = [9], sizes = [1], strides = [1]} : vector<16xi32> to vector<1xi32>
      %squeeze3A_256 = vector.extract %slice3A_255[0] : i32 from vector<1xi32>
      %add3A_257 = arith.addi %mul3A_57, %mul3A_156 : i32
      %add3A_258 = arith.constant 9 : i32
      %add3A_259 = arith.addi %add3A_257, %add3A_258 : i32
      %dma_start3A_260 = arith.constant 0 : i32
      %dma_start3A_261 = tpu.memref_slice %arg10[%squeeze3A_256, %dma_start3A_260] : memref<128x512xf32, #tpu.memory_space<vmem>> -> memref<1x512xf32, #tpu.memory_space<vmem>>
      %dma_start3A_262 = tpu.memref_slice %arg8[%add3A_259, %mul3A_86] : memref<16384x1536xf32, #tpu.memory_space<hbm>> -> memref<1x512xf32, #tpu.memory_space<hbm>>
      %dma_start3A_263 = tpu.memref_slice %arg8[%add3A_259, %mul3A_86] : memref<16384x1536xf32, #tpu.memory_space<hbm>> -> memref<1x512xf32, #tpu.memory_space<hbm>>
      %dma_start3A_264 = arith.constant 0 : i32
      %dma_start3A_265 = tpu.memref_slice %arg10[%squeeze3A_256, %dma_start3A_264] : memref<128x512xf32, #tpu.memory_space<vmem>> -> memref<1x512xf32, #tpu.memory_space<vmem>>
      tpu.enqueue_dma source(%dma_start3A_265 : memref<1x512xf32, #tpu.memory_space<vmem>>) target(%dma_start3A_263 : memref<1x512xf32, #tpu.memory_space<hbm>>) target_semaphore(%arg12 : memref<!tpu.dma_semaphore, #tpu.memory_space<semaphore_mem>>)
      %slice3A_266 = vector.extract_strided_slice %get3A_158 {offsets = [10], sizes = [1], strides = [1]} : vector<16xi32> to vector<1xi32>
      %squeeze3A_267 = vector.extract %slice3A_266[0] : i32 from vector<1xi32>
      %add3A_268 = arith.addi %mul3A_57, %mul3A_156 : i32
      %add3A_269 = arith.constant 10 : i32
      %add3A_270 = arith.addi %add3A_268, %add3A_269 : i32
      %dma_start3A_271 = arith.constant 0 : i32
      %dma_start3A_272 = tpu.memref_slice %arg10[%squeeze3A_267, %dma_start3A_271] : memref<128x512xf32, #tpu.memory_space<vmem>> -> memref<1x512xf32, #tpu.memory_space<vmem>>
      %dma_start3A_273 = tpu.memref_slice %arg8[%add3A_270, %mul3A_86] : memref<16384x1536xf32, #tpu.memory_space<hbm>> -> memref<1x512xf32, #tpu.memory_space<hbm>>
      %dma_start3A_274 = tpu.memref_slice %arg8[%add3A_270, %mul3A_86] : memref<16384x1536xf32, #tpu.memory_space<hbm>> -> memref<1x512xf32, #tpu.memory_space<hbm>>
      %dma_start3A_275 = arith.constant 0 : i32
      %dma_start3A_276 = tpu.memref_slice %arg10[%squeeze3A_267, %dma_start3A_275] : memref<128x512xf32, #tpu.memory_space<vmem>> -> memref<1x512xf32, #tpu.memory_space<vmem>>
      tpu.enqueue_dma source(%dma_start3A_276 : memref<1x512xf32, #tpu.memory_space<vmem>>) target(%dma_start3A_274 : memref<1x512xf32, #tpu.memory_space<hbm>>) target_semaphore(%arg12 : memref<!tpu.dma_semaphore, #tpu.memory_space<semaphore_mem>>)
      %slice3A_277 = vector.extract_strided_slice %get3A_158 {offsets = [11], sizes = [1], strides = [1]} : vector<16xi32> to vector<1xi32>
      %squeeze3A_278 = vector.extract %slice3A_277[0] : i32 from vector<1xi32>
      %add3A_279 = arith.addi %mul3A_57, %mul3A_156 : i32
      %add3A_280 = arith.constant 11 : i32
      %add3A_281 = arith.addi %add3A_279, %add3A_280 : i32
      %dma_start3A_282 = arith.constant 0 : i32
      %dma_start3A_283 = tpu.memref_slice %arg10[%squeeze3A_278, %dma_start3A_282] : memref<128x512xf32, #tpu.memory_space<vmem>> -> memref<1x512xf32, #tpu.memory_space<vmem>>
      %dma_start3A_284 = tpu.memref_slice %arg8[%add3A_281, %mul3A_86] : memref<16384x1536xf32, #tpu.memory_space<hbm>> -> memref<1x512xf32, #tpu.memory_space<hbm>>
      %dma_start3A_285 = tpu.memref_slice %arg8[%add3A_281, %mul3A_86] : memref<16384x1536xf32, #tpu.memory_space<hbm>> -> memref<1x512xf32, #tpu.memory_space<hbm>>
      %dma_start3A_286 = arith.constant 0 : i32
      %dma_start3A_287 = tpu.memref_slice %arg10[%squeeze3A_278, %dma_start3A_286] : memref<128x512xf32, #tpu.memory_space<vmem>> -> memref<1x512xf32, #tpu.memory_space<vmem>>
      tpu.enqueue_dma source(%dma_start3A_287 : memref<1x512xf32, #tpu.memory_space<vmem>>) target(%dma_start3A_285 : memref<1x512xf32, #tpu.memory_space<hbm>>) target_semaphore(%arg12 : memref<!tpu.dma_semaphore, #tpu.memory_space<semaphore_mem>>)
      %slice3A_288 = vector.extract_strided_slice %get3A_158 {offsets = [12], sizes = [1], strides = [1]} : vector<16xi32> to vector<1xi32>
      %squeeze3A_289 = vector.extract %slice3A_288[0] : i32 from vector<1xi32>
      %add3A_290 = arith.addi %mul3A_57, %mul3A_156 : i32
      %add3A_291 = arith.constant 12 : i32
      %add3A_292 = arith.addi %add3A_290, %add3A_291 : i32
      %dma_start3A_293 = arith.constant 0 : i32
      %dma_start3A_294 = tpu.memref_slice %arg10[%squeeze3A_289, %dma_start3A_293] : memref<128x512xf32, #tpu.memory_space<vmem>> -> memref<1x512xf32, #tpu.memory_space<vmem>>
      %dma_start3A_295 = tpu.memref_slice %arg8[%add3A_292, %mul3A_86] : memref<16384x1536xf32, #tpu.memory_space<hbm>> -> memref<1x512xf32, #tpu.memory_space<hbm>>
      %dma_start3A_296 = tpu.memref_slice %arg8[%add3A_292, %mul3A_86] : memref<16384x1536xf32, #tpu.memory_space<hbm>> -> memref<1x512xf32, #tpu.memory_space<hbm>>
      %dma_start3A_297 = arith.constant 0 : i32
      %dma_start3A_298 = tpu.memref_slice %arg10[%squeeze3A_289, %dma_start3A_297] : memref<128x512xf32, #tpu.memory_space<vmem>> -> memref<1x512xf32, #tpu.memory_space<vmem>>
      tpu.enqueue_dma source(%dma_start3A_298 : memref<1x512xf32, #tpu.memory_space<vmem>>) target(%dma_start3A_296 : memref<1x512xf32, #tpu.memory_space<hbm>>) target_semaphore(%arg12 : memref<!tpu.dma_semaphore, #tpu.memory_space<semaphore_mem>>)
      %slice3A_299 = vector.extract_strided_slice %get3A_158 {offsets = [13], sizes = [1], strides = [1]} : vector<16xi32> to vector<1xi32>
      %squeeze3A_300 = vector.extract %slice3A_299[0] : i32 from vector<1xi32>
      %add3A_301 = arith.addi %mul3A_57, %mul3A_156 : i32
      %add3A_302 = arith.constant 13 : i32
      %add3A_303 = arith.addi %add3A_301, %add3A_302 : i32
      %dma_start3A_304 = arith.constant 0 : i32
      %dma_start3A_305 = tpu.memref_slice %arg10[%squeeze3A_300, %dma_start3A_304] : memref<128x512xf32, #tpu.memory_space<vmem>> -> memref<1x512xf32, #tpu.memory_space<vmem>>
      %dma_start3A_306 = tpu.memref_slice %arg8[%add3A_303, %mul3A_86] : memref<16384x1536xf32, #tpu.memory_space<hbm>> -> memref<1x512xf32, #tpu.memory_space<hbm>>
      %dma_start3A_307 = tpu.memref_slice %arg8[%add3A_303, %mul3A_86] : memref<16384x1536xf32, #tpu.memory_space<hbm>> -> memref<1x512xf32, #tpu.memory_space<hbm>>
      %dma_start3A_308 = arith.constant 0 : i32
      %dma_start3A_309 = tpu.memref_slice %arg10[%squeeze3A_300, %dma_start3A_308] : memref<128x512xf32, #tpu.memory_space<vmem>> -> memref<1x512xf32, #tpu.memory_space<vmem>>
      tpu.enqueue_dma source(%dma_start3A_309 : memref<1x512xf32, #tpu.memory_space<vmem>>) target(%dma_start3A_307 : memref<1x512xf32, #tpu.memory_space<hbm>>) target_semaphore(%arg12 : memref<!tpu.dma_semaphore, #tpu.memory_space<semaphore_mem>>)
      %slice3A_310 = vector.extract_strided_slice %get3A_158 {offsets = [14], sizes = [1], strides = [1]} : vector<16xi32> to vector<1xi32>
      %squeeze3A_311 = vector.extract %slice3A_310[0] : i32 from vector<1xi32>
      %add3A_312 = arith.addi %mul3A_57, %mul3A_156 : i32
      %add3A_313 = arith.constant 14 : i32
      %add3A_314 = arith.addi %add3A_312, %add3A_313 : i32
      %dma_start3A_315 = arith.constant 0 : i32
      %dma_start3A_316 = tpu.memref_slice %arg10[%squeeze3A_311, %dma_start3A_315] : memref<128x512xf32, #tpu.memory_space<vmem>> -> memref<1x512xf32, #tpu.memory_space<vmem>>
      %dma_start3A_317 = tpu.memref_slice %arg8[%add3A_314, %mul3A_86] : memref<16384x1536xf32, #tpu.memory_space<hbm>> -> memref<1x512xf32, #tpu.memory_space<hbm>>
      %dma_start3A_318 = tpu.memref_slice %arg8[%add3A_314, %mul3A_86] : memref<16384x1536xf32, #tpu.memory_space<hbm>> -> memref<1x512xf32, #tpu.memory_space<hbm>>
      %dma_start3A_319 = arith.constant 0 : i32
      %dma_start3A_320 = tpu.memref_slice %arg10[%squeeze3A_311, %dma_start3A_319] : memref<128x512xf32, #tpu.memory_space<vmem>> -> memref<1x512xf32, #tpu.memory_space<vmem>>
      tpu.enqueue_dma source(%dma_start3A_320 : memref<1x512xf32, #tpu.memory_space<vmem>>) target(%dma_start3A_318 : memref<1x512xf32, #tpu.memory_space<hbm>>) target_semaphore(%arg12 : memref<!tpu.dma_semaphore, #tpu.memory_space<semaphore_mem>>)
      %slice3A_321 = vector.extract_strided_slice %get3A_158 {offsets = [15], sizes = [1], strides = [1]} : vector<16xi32> to vector<1xi32>
      %squeeze3A_322 = vector.extract %slice3A_321[0] : i32 from vector<1xi32>
      %add3A_323 = arith.addi %mul3A_57, %mul3A_156 : i32
      %add3A_324 = arith.constant 15 : i32
      %add3A_325 = arith.addi %add3A_323, %add3A_324 : i32
      %dma_start3A_326 = arith.constant 0 : i32
      %dma_start3A_327 = tpu.memref_slice %arg10[%squeeze3A_322, %dma_start3A_326] : memref<128x512xf32, #tpu.memory_space<vmem>> -> memref<1x512xf32, #tpu.memory_space<vmem>>
      %dma_start3A_328 = tpu.memref_slice %arg8[%add3A_325, %mul3A_86] : memref<16384x1536xf32, #tpu.memory_space<hbm>> -> memref<1x512xf32, #tpu.memory_space<hbm>>
      %dma_start3A_329 = tpu.memref_slice %arg8[%add3A_325, %mul3A_86] : memref<16384x1536xf32, #tpu.memory_space<hbm>> -> memref<1x512xf32, #tpu.memory_space<hbm>>
      %dma_start3A_330 = arith.constant 0 : i32
      %dma_start3A_331 = tpu.memref_slice %arg10[%squeeze3A_322, %dma_start3A_330] : memref<128x512xf32, #tpu.memory_space<vmem>> -> memref<1x512xf32, #tpu.memory_space<vmem>>
      tpu.enqueue_dma source(%dma_start3A_331 : memref<1x512xf32, #tpu.memory_space<vmem>>) target(%dma_start3A_329 : memref<1x512xf32, #tpu.memory_space<hbm>>) target_semaphore(%arg12 : memref<!tpu.dma_semaphore, #tpu.memory_space<semaphore_mem>>)
    }
    %while3A_119 = arith.constant 1 : i32
    scf.for %while3A_154 = %while3A_117 to %while3A_113 step %while3A_119  : i32 {
      %mul3A_155 = arith.constant 16 : i32
      %mul3A_156 = arith.muli %while3A_154, %mul3A_155 : i32
      %add3A_157 = arith.addi %sub3A_67, %mul3A_156 : i32
      %get3A = arith.index_cast %add3A_157 : i32 to index
      %get3A_158 = tpu.vector_load %arg11[%get3A] {strides = array<i32>} : memref<1696xi32, #tpu.memory_space<vmem>>, vector<16xi32>,
      %slice3A = vector.extract_strided_slice %get3A_158 {offsets = [0], sizes = [1], strides = [1]} : vector<16xi32> to vector<1xi32>
      %squeeze3A = vector.extract %slice3A[0] : i32 from vector<1xi32>
      %add3A_159 = arith.addi %mul3A_57, %mul3A_156 : i32
      %add3A_160 = arith.constant 0 : i32
      %add3A_161 = arith.addi %add3A_159, %add3A_160 : i32
      %dma_start3A = arith.constant 0 : i32
      %dma_start3A_162 = tpu.memref_slice %arg10[%squeeze3A, %dma_start3A] : memref<128x512xf32, #tpu.memory_space<vmem>> -> memref<1x512xf32, #tpu.memory_space<vmem>>
      %dma_start3A_163 = tpu.memref_slice %arg8[%add3A_161, %mul3A_86] : memref<16384x1536xf32, #tpu.memory_space<hbm>> -> memref<1x512xf32, #tpu.memory_space<hbm>>
      %dma_start3A_164 = tpu.memref_slice %arg8[%add3A_161, %mul3A_86] : memref<16384x1536xf32, #tpu.memory_space<hbm>> -> memref<1x512xf32, #tpu.memory_space<hbm>>
      %dma_start3A_165 = arith.constant 0 : i32
      %dma_start3A_166 = tpu.memref_slice %arg10[%squeeze3A, %dma_start3A_165] : memref<128x512xf32, #tpu.memory_space<vmem>> -> memref<1x512xf32, #tpu.memory_space<vmem>>
      tpu.enqueue_dma source(%dma_start3A_166 : memref<1x512xf32, #tpu.memory_space<vmem>>) target(%dma_start3A_164 : memref<1x512xf32, #tpu.memory_space<hbm>>) target_semaphore(%arg12 : memref<!tpu.dma_semaphore, #tpu.memory_space<semaphore_mem>>)
      %slice3A_167 = vector.extract_strided_slice %get3A_158 {offsets = [1], sizes = [1], strides = [1]} : vector<16xi32> to vector<1xi32>
      %squeeze3A_168 = vector.extract %slice3A_167[0] : i32 from vector<1xi32>
      %add3A_169 = arith.addi %mul3A_57, %mul3A_156 : i32
      %add3A_170 = arith.constant 1 : i32
      %add3A_171 = arith.addi %add3A_169, %add3A_170 : i32
      %dma_start3A_172 = arith.constant 0 : i32
      %dma_start3A_173 = tpu.memref_slice %arg10[%squeeze3A_168, %dma_start3A_172] : memref<128x512xf32, #tpu.memory_space<vmem>> -> memref<1x512xf32, #tpu.memory_space<vmem>>
      %dma_start3A_174 = tpu.memref_slice %arg8[%add3A_171, %mul3A_86] : memref<16384x1536xf32, #tpu.memory_space<hbm>> -> memref<1x512xf32, #tpu.memory_space<hbm>>
      %dma_start3A_175 = tpu.memref_slice %arg8[%add3A_171, %mul3A_86] : memref<16384x1536xf32, #tpu.memory_space<hbm>> -> memref<1x512xf32, #tpu.memory_space<hbm>>
      %dma_start3A_176 = arith.constant 0 : i32
      %dma_start3A_177 = tpu.memref_slice %arg10[%squeeze3A_168, %dma_start3A_176] : memref<128x512xf32, #tpu.memory_space<vmem>> -> memref<1x512xf32, #tpu.memory_space<vmem>>
      tpu.enqueue_dma source(%dma_start3A_177 : memref<1x512xf32, #tpu.memory_space<vmem>>) target(%dma_start3A_175 : memref<1x512xf32, #tpu.memory_space<hbm>>) target_semaphore(%arg12 : memref<!tpu.dma_semaphore, #tpu.memory_space<semaphore_mem>>)
      %slice3A_178 = vector.extract_strided_slice %get3A_158 {offsets = [2], sizes = [1], strides = [1]} : vector<16xi32> to vector<1xi32>
      %squeeze3A_179 = vector.extract %slice3A_178[0] : i32 from vector<1xi32>
      %add3A_180 = arith.addi %mul3A_57, %mul3A_156 : i32
      %add3A_181 = arith.constant 2 : i32
      %add3A_182 = arith.addi %add3A_180, %add3A_181 : i32
      %dma_start3A_183 = arith.constant 0 : i32
      %dma_start3A_184 = tpu.memref_slice %arg10[%squeeze3A_179, %dma_start3A_183] : memref<128x512xf32, #tpu.memory_space<vmem>> -> memref<1x512xf32, #tpu.memory_space<vmem>>
      %dma_start3A_185 = tpu.memref_slice %arg8[%add3A_182, %mul3A_86] : memref<16384x1536xf32, #tpu.memory_space<hbm>> -> memref<1x512xf32, #tpu.memory_space<hbm>>
      %dma_start3A_186 = tpu.memref_slice %arg8[%add3A_182, %mul3A_86] : memref<16384x1536xf32, #tpu.memory_space<hbm>> -> memref<1x512xf32, #tpu.memory_space<hbm>>
      %dma_start3A_187 = arith.constant 0 : i32
      %dma_start3A_188 = tpu.memref_slice %arg10[%squeeze3A_179, %dma_start3A_187] : memref<128x512xf32, #tpu.memory_space<vmem>> -> memref<1x512xf32, #tpu.memory_space<vmem>>
      tpu.enqueue_dma source(%dma_start3A_188 : memref<1x512xf32, #tpu.memory_space<vmem>>) target(%dma_start3A_186 : memref<1x512xf32, #tpu.memory_space<hbm>>) target_semaphore(%arg12 : memref<!tpu.dma_semaphore, #tpu.memory_space<semaphore_mem>>)
      %slice3A_189 = vector.extract_strided_slice %get3A_158 {offsets = [3], sizes = [1], strides = [1]} : vector<16xi32> to vector<1xi32>
      %squeeze3A_190 = vector.extract %slice3A_189[0] : i32 from vector<1xi32>
      %add3A_191 = arith.addi %mul3A_57, %mul3A_156 : i32
      %add3A_192 = arith.constant 3 : i32
      %add3A_193 = arith.addi %add3A_191, %add3A_192 : i32
      %dma_start3A_194 = arith.constant 0 : i32
      %dma_start3A_195 = tpu.memref_slice %arg10[%squeeze3A_190, %dma_start3A_194] : memref<128x512xf32, #tpu.memory_space<vmem>> -> memref<1x512xf32, #tpu.memory_space<vmem>>
      %dma_start3A_196 = tpu.memref_slice %arg8[%add3A_193, %mul3A_86] : memref<16384x1536xf32, #tpu.memory_space<hbm>> -> memref<1x512xf32, #tpu.memory_space<hbm>>
      %dma_start3A_197 = tpu.memref_slice %arg8[%add3A_193, %mul3A_86] : memref<16384x1536xf32, #tpu.memory_space<hbm>> -> memref<1x512xf32, #tpu.memory_space<hbm>>
      %dma_start3A_198 = arith.constant 0 : i32
      %dma_start3A_199 = tpu.memref_slice %arg10[%squeeze3A_190, %dma_start3A_198] : memref<128x512xf32, #tpu.memory_space<vmem>> -> memref<1x512xf32, #tpu.memory_space<vmem>>
      tpu.enqueue_dma source(%dma_start3A_199 : memref<1x512xf32, #tpu.memory_space<vmem>>) target(%dma_start3A_197 : memref<1x512xf32, #tpu.memory_space<hbm>>) target_semaphore(%arg12 : memref<!tpu.dma_semaphore, #tpu.memory_space<semaphore_mem>>)
      %slice3A_200 = vector.extract_strided_slice %get3A_158 {offsets = [4], sizes = [1], strides = [1]} : vector<16xi32> to vector<1xi32>
      %squeeze3A_201 = vector.extract %slice3A_200[0] : i32 from vector<1xi32>
      %add3A_202 = arith.addi %mul3A_57, %mul3A_156 : i32
      %add3A_203 = arith.constant 4 : i32
      %add3A_204 = arith.addi %add3A_202, %add3A_203 : i32
      %dma_start3A_205 = arith.constant 0 : i32
      %dma_start3A_206 = tpu.memref_slice %arg10[%squeeze3A_201, %dma_start3A_205] : memref<128x512xf32, #tpu.memory_space<vmem>> -> memref<1x512xf32, #tpu.memory_space<vmem>>
      %dma_start3A_207 = tpu.memref_slice %arg8[%add3A_204, %mul3A_86] : memref<16384x1536xf32, #tpu.memory_space<hbm>> -> memref<1x512xf32, #tpu.memory_space<hbm>>
      %dma_start3A_208 = tpu.memref_slice %arg8[%add3A_204, %mul3A_86] : memref<16384x1536xf32, #tpu.memory_space<hbm>> -> memref<1x512xf32, #tpu.memory_space<hbm>>
      %dma_start3A_209 = arith.constant 0 : i32
      %dma_start3A_210 = tpu.memref_slice %arg10[%squeeze3A_201, %dma_start3A_209] : memref<128x512xf32, #tpu.memory_space<vmem>> -> memref<1x512xf32, #tpu.memory_space<vmem>>
      tpu.enqueue_dma source(%dma_start3A_210 : memref<1x512xf32, #tpu.memory_space<vmem>>) target(%dma_start3A_208 : memref<1x512xf32, #tpu.memory_space<hbm>>) target_semaphore(%arg12 : memref<!tpu.dma_semaphore, #tpu.memory_space<semaphore_mem>>)
      %slice3A_211 = vector.extract_strided_slice %get3A_158 {offsets = [5], sizes = [1], strides = [1]} : vector<16xi32> to vector<1xi32>
      %squeeze3A_212 = vector.extract %slice3A_211[0] : i32 from vector<1xi32>
      %add3A_213 = arith.addi %mul3A_57, %mul3A_156 : i32
      %add3A_214 = arith.constant 5 : i32
      %add3A_215 = arith.addi %add3A_213, %add3A_214 : i32
      %dma_start3A_216 = arith.constant 0 : i32
      %dma_start3A_217 = tpu.memref_slice %arg10[%squeeze3A_212, %dma_start3A_216] : memref<128x512xf32, #tpu.memory_space<vmem>> -> memref<1x512xf32, #tpu.memory_space<vmem>>
      %dma_start3A_218 = tpu.memref_slice %arg8[%add3A_215, %mul3A_86] : memref<16384x1536xf32, #tpu.memory_space<hbm>> -> memref<1x512xf32, #tpu.memory_space<hbm>>
      %dma_start3A_219 = tpu.memref_slice %arg8[%add3A_215, %mul3A_86] : memref<16384x1536xf32, #tpu.memory_space<hbm>> -> memref<1x512xf32, #tpu.memory_space<hbm>>
      %dma_start3A_220 = arith.constant 0 : i32
      %dma_start3A_221 = tpu.memref_slice %arg10[%squeeze3A_212, %dma_start3A_220] : memref<128x512xf32, #tpu.memory_space<vmem>> -> memref<1x512xf32, #tpu.memory_space<vmem>>
      tpu.enqueue_dma source(%dma_start3A_221 : memref<1x512xf32, #tpu.memory_space<vmem>>) target(%dma_start3A_219 : memref<1x512xf32, #tpu.memory_space<hbm>>) target_semaphore(%arg12 : memref<!tpu.dma_semaphore, #tpu.memory_space<semaphore_mem>>)
      %slice3A_222 = vector.extract_strided_slice %get3A_158 {offsets = [6], sizes = [1], strides = [1]} : vector<16xi32> to vector<1xi32>
      %squeeze3A_223 = vector.extract %slice3A_222[0] : i32 from vector<1xi32>
      %add3A_224 = arith.addi %mul3A_57, %mul3A_156 : i32
      %add3A_225 = arith.constant 6 : i32
      %add3A_226 = arith.addi %add3A_224, %add3A_225 : i32
      %dma_start3A_227 = arith.constant 0 : i32
      %dma_start3A_228 = tpu.memref_slice %arg10[%squeeze3A_223, %dma_start3A_227] : memref<128x512xf32, #tpu.memory_space<vmem>> -> memref<1x512xf32, #tpu.memory_space<vmem>>
      %dma_start3A_229 = tpu.memref_slice %arg8[%add3A_226, %mul3A_86] : memref<16384x1536xf32, #tpu.memory_space<hbm>> -> memref<1x512xf32, #tpu.memory_space<hbm>>
      %dma_start3A_230 = tpu.memref_slice %arg8[%add3A_226, %mul3A_86] : memref<16384x1536xf32, #tpu.memory_space<hbm>> -> memref<1x512xf32, #tpu.memory_space<hbm>>
      %dma_start3A_231 = arith.constant 0 : i32
      %dma_start3A_232 = tpu.memref_slice %arg10[%squeeze3A_223, %dma_start3A_231] : memref<128x512xf32, #tpu.memory_space<vmem>> -> memref<1x512xf32, #tpu.memory_space<vmem>>
      tpu.enqueue_dma source(%dma_start3A_232 : memref<1x512xf32, #tpu.memory_space<vmem>>) target(%dma_start3A_230 : memref<1x512xf32, #tpu.memory_space<hbm>>) target_semaphore(%arg12 : memref<!tpu.dma_semaphore, #tpu.memory_space<semaphore_mem>>)
      %slice3A_233 = vector.extract_strided_slice %get3A_158 {offsets = [7], sizes = [1], strides = [1]} : vector<16xi32> to vector<1xi32>
      %squeeze3A_234 = vector.extract %slice3A_233[0] : i32 from vector<1xi32>
      %add3A_235 = arith.addi %mul3A_57, %mul3A_156 : i32
      %add3A_236 = arith.constant 7 : i32
      %add3A_237 = arith.addi %add3A_235, %add3A_236 : i32
      %dma_start3A_238 = arith.constant 0 : i32
      %dma_start3A_239 = tpu.memref_slice %arg10[%squeeze3A_234, %dma_start3A_238] : memref<128x512xf32, #tpu.memory_space<vmem>> -> memref<1x512xf32, #tpu.memory_space<vmem>>
      %dma_start3A_240 = tpu.memref_slice %arg8[%add3A_237, %mul3A_86] : memref<16384x1536xf32, #tpu.memory_space<hbm>> -> memref<1x512xf32, #tpu.memory_space<hbm>>
      %dma_start3A_241 = tpu.memref_slice %arg8[%add3A_237, %mul3A_86] : memref<16384x1536xf32, #tpu.memory_space<hbm>> -> memref<1x512xf32, #tpu.memory_space<hbm>>
      %dma_start3A_242 = arith.constant 0 : i32
      %dma_start3A_243 = tpu.memref_slice %arg10[%squeeze3A_234, %dma_start3A_242] : memref<128x512xf32, #tpu.memory_space<vmem>> -> memref<1x512xf32, #tpu.memory_space<vmem>>
      tpu.enqueue_dma source(%dma_start3A_243 : memref<1x512xf32, #tpu.memory_space<vmem>>) target(%dma_start3A_241 : memref<1x512xf32, #tpu.memory_space<hbm>>) target_semaphore(%arg12 : memref<!tpu.dma_semaphore, #tpu.memory_space<semaphore_mem>>)
      %slice3A_244 = vector.extract_strided_slice %get3A_158 {offsets = [8], sizes = [1], strides = [1]} : vector<16xi32> to vector<1xi32>
      %squeeze3A_245 = vector.extract %slice3A_244[0] : i32 from vector<1xi32>
      %add3A_246 = arith.addi %mul3A_57, %mul3A_156 : i32
      %add3A_247 = arith.constant 8 : i32
      %add3A_248 = arith.addi %add3A_246, %add3A_247 : i32
      %dma_start3A_249 = arith.constant 0 : i32
      %dma_start3A_250 = tpu.memref_slice %arg10[%squeeze3A_245, %dma_start3A_249] : memref<128x512xf32, #tpu.memory_space<vmem>> -> memref<1x512xf32, #tpu.memory_space<vmem>>
      %dma_start3A_251 = tpu.memref_slice %arg8[%add3A_248, %mul3A_86] : memref<16384x1536xf32, #tpu.memory_space<hbm>> -> memref<1x512xf32, #tpu.memory_space<hbm>>
      %dma_start3A_252 = tpu.memref_slice %arg8[%add3A_248, %mul3A_86] : memref<16384x1536xf32, #tpu.memory_space<hbm>> -> memref<1x512xf32, #tpu.memory_space<hbm>>
      %dma_start3A_253 = arith.constant 0 : i32
      %dma_start3A_254 = tpu.memref_slice %arg10[%squeeze3A_245, %dma_start3A_253] : memref<128x512xf32, #tpu.memory_space<vmem>> -> memref<1x512xf32, #tpu.memory_space<vmem>>
      tpu.enqueue_dma source(%dma_start3A_254 : memref<1x512xf32, #tpu.memory_space<vmem>>) target(%dma_start3A_252 : memref<1x512xf32, #tpu.memory_space<hbm>>) target_semaphore(%arg12 : memref<!tpu.dma_semaphore, #tpu.memory_space<semaphore_mem>>)
      %slice3A_255 = vector.extract_strided_slice %get3A_158 {offsets = [9], sizes = [1], strides = [1]} : vector<16xi32> to vector<1xi32>
      %squeeze3A_256 = vector.extract %slice3A_255[0] : i32 from vector<1xi32>
      %add3A_257 = arith.addi %mul3A_57, %mul3A_156 : i32
      %add3A_258 = arith.constant 9 : i32
      %add3A_259 = arith.addi %add3A_257, %add3A_258 : i32
      %dma_start3A_260 = arith.constant 0 : i32
      %dma_start3A_261 = tpu.memref_slice %arg10[%squeeze3A_256, %dma_start3A_260] : memref<128x512xf32, #tpu.memory_space<vmem>> -> memref<1x512xf32, #tpu.memory_space<vmem>>
      %dma_start3A_262 = tpu.memref_slice %arg8[%add3A_259, %mul3A_86] : memref<16384x1536xf32, #tpu.memory_space<hbm>> -> memref<1x512xf32, #tpu.memory_space<hbm>>
      %dma_start3A_263 = tpu.memref_slice %arg8[%add3A_259, %mul3A_86] : memref<16384x1536xf32, #tpu.memory_space<hbm>> -> memref<1x512xf32, #tpu.memory_space<hbm>>
      %dma_start3A_264 = arith.constant 0 : i32
      %dma_start3A_265 = tpu.memref_slice %arg10[%squeeze3A_256, %dma_start3A_264] : memref<128x512xf32, #tpu.memory_space<vmem>> -> memref<1x512xf32, #tpu.memory_space<vmem>>
      tpu.enqueue_dma source(%dma_start3A_265 : memref<1x512xf32, #tpu.memory_space<vmem>>) target(%dma_start3A_263 : memref<1x512xf32, #tpu.memory_space<hbm>>) target_semaphore(%arg12 : memref<!tpu.dma_semaphore, #tpu.memory_space<semaphore_mem>>)
      %slice3A_266 = vector.extract_strided_slice %get3A_158 {offsets = [10], sizes = [1], strides = [1]} : vector<16xi32> to vector<1xi32>
      %squeeze3A_267 = vector.extract %slice3A_266[0] : i32 from vector<1xi32>
      %add3A_268 = arith.addi %mul3A_57, %mul3A_156 : i32
      %add3A_269 = arith.constant 10 : i32
      %add3A_270 = arith.addi %add3A_268, %add3A_269 : i32
      %dma_start3A_271 = arith.constant 0 : i32
      %dma_start3A_272 = tpu.memref_slice %arg10[%squeeze3A_267, %dma_start3A_271] : memref<128x512xf32, #tpu.memory_space<vmem>> -> memref<1x512xf32, #tpu.memory_space<vmem>>
      %dma_start3A_273 = tpu.memref_slice %arg8[%add3A_270, %mul3A_86] : memref<16384x1536xf32, #tpu.memory_space<hbm>> -> memref<1x512xf32, #tpu.memory_space<hbm>>
      %dma_start3A_274 = tpu.memref_slice %arg8[%add3A_270, %mul3A_86] : memref<16384x1536xf32, #tpu.memory_space<hbm>> -> memref<1x512xf32, #tpu.memory_space<hbm>>
      %dma_start3A_275 = arith.constant 0 : i32
      %dma_start3A_276 = tpu.memref_slice %arg10[%squeeze3A_267, %dma_start3A_275] : memref<128x512xf32, #tpu.memory_space<vmem>> -> memref<1x512xf32, #tpu.memory_space<vmem>>
      tpu.enqueue_dma source(%dma_start3A_276 : memref<1x512xf32, #tpu.memory_space<vmem>>) target(%dma_start3A_274 : memref<1x512xf32, #tpu.memory_space<hbm>>) target_semaphore(%arg12 : memref<!tpu.dma_semaphore, #tpu.memory_space<semaphore_mem>>)
      %slice3A_277 = vector.extract_strided_slice %get3A_158 {offsets = [11], sizes = [1], strides = [1]} : vector<16xi32> to vector<1xi32>
      %squeeze3A_278 = vector.extract %slice3A_277[0] : i32 from vector<1xi32>
      %add3A_279 = arith.addi %mul3A_57, %mul3A_156 : i32
      %add3A_280 = arith.constant 11 : i32
      %add3A_281 = arith.addi %add3A_279, %add3A_280 : i32
      %dma_start3A_282 = arith.constant 0 : i32
      %dma_start3A_283 = tpu.memref_slice %arg10[%squeeze3A_278, %dma_start3A_282] : memref<128x512xf32, #tpu.memory_space<vmem>> -> memref<1x512xf32, #tpu.memory_space<vmem>>
      %dma_start3A_284 = tpu.memref_slice %arg8[%add3A_281, %mul3A_86] : memref<16384x1536xf32, #tpu.memory_space<hbm>> -> memref<1x512xf32, #tpu.memory_space<hbm>>
      %dma_start3A_285 = tpu.memref_slice %arg8[%add3A_281, %mul3A_86] : memref<16384x1536xf32, #tpu.memory_space<hbm>> -> memref<1x512xf32, #tpu.memory_space<hbm>>
      %dma_start3A_286 = arith.constant 0 : i32
      %dma_start3A_287 = tpu.memref_slice %arg10[%squeeze3A_278, %dma_start3A_286] : memref<128x512xf32, #tpu.memory_space<vmem>> -> memref<1x512xf32, #tpu.memory_space<vmem>>
      tpu.enqueue_dma source(%dma_start3A_287 : memref<1x512xf32, #tpu.memory_space<vmem>>) target(%dma_start3A_285 : memref<1x512xf32, #tpu.memory_space<hbm>>) target_semaphore(%arg12 : memref<!tpu.dma_semaphore, #tpu.memory_space<semaphore_mem>>)
      %slice3A_288 = vector.extract_strided_slice %get3A_158 {offsets = [12], sizes = [1], strides = [1]} : vector<16xi32> to vector<1xi32>
      %squeeze3A_289 = vector.extract %slice3A_288[0] : i32 from vector<1xi32>
      %add3A_290 = arith.addi %mul3A_57, %mul3A_156 : i32
      %add3A_291 = arith.constant 12 : i32
      %add3A_292 = arith.addi %add3A_290, %add3A_291 : i32
      %dma_start3A_293 = arith.constant 0 : i32
      %dma_start3A_294 = tpu.memref_slice %arg10[%squeeze3A_289, %dma_start3A_293] : memref<128x512xf32, #tpu.memory_space<vmem>> -> memref<1x512xf32, #tpu.memory_space<vmem>>
      %dma_start3A_295 = tpu.memref_slice %arg8[%add3A_292, %mul3A_86] : memref<16384x1536xf32, #tpu.memory_space<hbm>> -> memref<1x512xf32, #tpu.memory_space<hbm>>
      %dma_start3A_296 = tpu.memref_slice %arg8[%add3A_292, %mul3A_86] : memref<16384x1536xf32, #tpu.memory_space<hbm>> -> memref<1x512xf32, #tpu.memory_space<hbm>>
      %dma_start3A_297 = arith.constant 0 : i32
      %dma_start3A_298 = tpu.memref_slice %arg10[%squeeze3A_289, %dma_start3A_297] : memref<128x512xf32, #tpu.memory_space<vmem>> -> memref<1x512xf32, #tpu.memory_space<vmem>>
      tpu.enqueue_dma source(%dma_start3A_298 : memref<1x512xf32, #tpu.memory_space<vmem>>) target(%dma_start3A_296 : memref<1x512xf32, #tpu.memory_space<hbm>>) target_semaphore(%arg12 : memref<!tpu.dma_semaphore, #tpu.memory_space<semaphore_mem>>)
      %slice3A_299 = vector.extract_strided_slice %get3A_158 {offsets = [13], sizes = [1], strides = [1]} : vector<16xi32> to vector<1xi32>
      %squeeze3A_300 = vector.extract %slice3A_299[0] : i32 from vector<1xi32>
      %add3A_301 = arith.addi %mul3A_57, %mul3A_156 : i32
      %add3A_302 = arith.constant 13 : i32
      %add3A_303 = arith.addi %add3A_301, %add3A_302 : i32
      %dma_start3A_304 = arith.constant 0 : i32
      %dma_start3A_305 = tpu.memref_slice %arg10[%squeeze3A_300, %dma_start3A_304] : memref<128x512xf32, #tpu.memory_space<vmem>> -> memref<1x512xf32, #tpu.memory_space<vmem>>
      %dma_start3A_306 = tpu.memref_slice %arg8[%add3A_303, %mul3A_86] : memref<16384x1536xf32, #tpu.memory_space<hbm>> -> memref<1x512xf32, #tpu.memory_space<hbm>>
      %dma_start3A_307 = tpu.memref_slice %arg8[%add3A_303, %mul3A_86] : memref<16384x1536xf32, #tpu.memory_space<hbm>> -> memref<1x512xf32, #tpu.memory_space<hbm>>
      %dma_start3A_308 = arith.constant 0 : i32
      %dma_start3A_309 = tpu.memref_slice %arg10[%squeeze3A_300, %dma_start3A_308] : memref<128x512xf32, #tpu.memory_space<vmem>> -> memref<1x512xf32, #tpu.memory_space<vmem>>
      tpu.enqueue_dma source(%dma_start3A_309 : memref<1x512xf32, #tpu.memory_space<vmem>>) target(%dma_start3A_307 : memref<1x512xf32, #tpu.memory_space<hbm>>) target_semaphore(%arg12 : memref<!tpu.dma_semaphore, #tpu.memory_space<semaphore_mem>>)
      %slice3A_310 = vector.extract_strided_slice %get3A_158 {offsets = [14], sizes = [1], strides = [1]} : vector<16xi32> to vector<1xi32>
      %squeeze3A_311 = vector.extract %slice3A_310[0] : i32 from vector<1xi32>
      %add3A_312 = arith.addi %mul3A_57, %mul3A_156 : i32
      %add3A_313 = arith.constant 14 : i32
      %add3A_314 = arith.addi %add3A_312, %add3A_313 : i32
      %dma_start3A_315 = arith.constant 0 : i32
      %dma_start3A_316 = tpu.memref_slice %arg10[%squeeze3A_311, %dma_start3A_315] : memref<128x512xf32, #tpu.memory_space<vmem>> -> memref<1x512xf32, #tpu.memory_space<vmem>>
      %dma_start3A_317 = tpu.memref_slice %arg8[%add3A_314, %mul3A_86] : memref<16384x1536xf32, #tpu.memory_space<hbm>> -> memref<1x512xf32, #tpu.memory_space<hbm>>
      %dma_start3A_318 = tpu.memref_slice %arg8[%add3A_314, %mul3A_86] : memref<16384x1536xf32, #tpu.memory_space<hbm>> -> memref<1x512xf32, #tpu.memory_space<hbm>>
      %dma_start3A_319 = arith.constant 0 : i32
      %dma_start3A_320 = tpu.memref_slice %arg10[%squeeze3A_311, %dma_start3A_319] : memref<128x512xf32, #tpu.memory_space<vmem>> -> memref<1x512xf32, #tpu.memory_space<vmem>>
      tpu.enqueue_dma source(%dma_start3A_320 : memref<1x512xf32, #tpu.memory_space<vmem>>) target(%dma_start3A_318 : memref<1x512xf32, #tpu.memory_space<hbm>>) target_semaphore(%arg12 : memref<!tpu.dma_semaphore, #tpu.memory_space<semaphore_mem>>)
      %slice3A_321 = vector.extract_strided_slice %get3A_158 {offsets = [15], sizes = [1], strides = [1]} : vector<16xi32> to vector<1xi32>
      %squeeze3A_322 = vector.extract %slice3A_321[0] : i32 from vector<1xi32>
      %add3A_323 = arith.addi %mul3A_57, %mul3A_156 : i32
      %add3A_324 = arith.constant 15 : i32
      %add3A_325 = arith.addi %add3A_323, %add3A_324 : i32
      %dma_start3A_326 = arith.constant 0 : i32
      %dma_start3A_327 = tpu.memref_slice %arg10[%squeeze3A_322, %dma_start3A_326] : memref<128x512xf32, #tpu.memory_space<vmem>> -> memref<1x512xf32, #tpu.memory_space<vmem>>
      %dma_start3A_328 = tpu.memref_slice %arg8[%add3A_325, %mul3A_86] : memref<16384x1536xf32, #tpu.memory_space<hbm>> -> memref<1x512xf32, #tpu.memory_space<hbm>>
      %dma_start3A_329 = tpu.memref_slice %arg8[%add3A_325, %mul3A_86] : memref<16384x1536xf32, #tpu.memory_space<hbm>> -> memref<1x512xf32, #tpu.memory_space<hbm>>
      %dma_start3A_330 = arith.constant 0 : i32
      %dma_start3A_331 = tpu.memref_slice %arg10[%squeeze3A_322, %dma_start3A_330] : memref<128x512xf32, #tpu.memory_space<vmem>> -> memref<1x512xf32, #tpu.memory_space<vmem>>
      tpu.enqueue_dma source(%dma_start3A_331 : memref<1x512xf32, #tpu.memory_space<vmem>>) target(%dma_start3A_329 : memref<1x512xf32, #tpu.memory_space<hbm>>) target_semaphore(%arg12 : memref<!tpu.dma_semaphore, #tpu.memory_space<semaphore_mem>>)
    }
    %jit3A_120 = arith.constant 16 : i32
    %div3A_121 = arith.divsi %select_n3A_62, %jit3A_120 : i32
    %sign3A_122 = arith.constant 0 : i32
    %sign3A_123 = arith.cmpi sgt, %select_n3A_62, %sign3A_122 : i32
    %sign3A_124 = arith.extui %sign3A_123 : i1 to i32
    %sign3A_125 = arith.constant 0 : i32
    %sign3A_126 = arith.cmpi slt, %select_n3A_62, %sign3A_125 : i32
    %sign3A_127 = arith.extui %sign3A_126 : i1 to i32
    %sign3A_128 = arith.subi %sign3A_124, %sign3A_127 : i32
    %sign3A_129 = arith.constant 0 : i32
    %sign3A_130 = arith.cmpi sgt, %jit3A_120, %sign3A_129 : i32
    %sign3A_131 = arith.extui %sign3A_130 : i1 to i32
    %sign3A_132 = arith.constant 0 : i32
    %sign3A_133 = arith.cmpi slt, %jit3A_120, %sign3A_132 : i32
    %sign3A_134 = arith.extui %sign3A_133 : i1 to i32
    %sign3A_135 = arith.subi %sign3A_131, %sign3A_134 : i32
    %ne3A_136 = arith.cmpi ne, %sign3A_128, %sign3A_135 : i32
    %rem3A_137 = arith.remsi %select_n3A_62, %jit3A_120 : i32
    %ne3A_138 = arith.constant 0 : i32
    %ne3A_139 = arith.cmpi ne, %rem3A_137, %ne3A_138 : i32
    %and3A_140 = arith.andi %ne3A_136, %ne3A_139 : i1
    %sub3A_141 = arith.constant 1 : i32
    %sub3A_142 = arith.subi %div3A_121, %sub3A_141 : i32
    %select_n3A_143 = arith.select %and3A_140, %sub3A_142, %div3A_121 : i32
    %while3A_144 = arith.constant 0 : i32
    %while3A_145 = arith.constant 0 : i32
    %while3A_146 = arith.subi %select_n3A_143, %while3A_145 : i32
    %while3A_147 = arith.addi %while3A_145, %while3A_146 : i32
    %while3A_148 = arith.constant 1 : i32
    %while3A_149 = arith.divsi %while3A_146, %while3A_148 : i32
    %while3A_150 = arith.muli %while3A_149, %while3A_148 : i32
    %while3A_151 = arith.addi %while3A_145, %while3A_150 : i32
    %while3A_152 = arith.constant 1 : i32
    scf.for %while3A_154 = %while3A_145 to %while3A_151 step %while3A_152  : i32 {
      %dma_wait3A = arith.constant 0 : i32
      %dma_wait3A_155 = arith.constant 0 : i32
      %dma_wait3A_156 = tpu.memref_slice %arg10[%dma_wait3A, %dma_wait3A_155] : memref<128x512xf32, #tpu.memory_space<vmem>> -> memref<16x512xf32, #tpu.memory_space<vmem>>
      %dma_wait3A_157 = arith.constant 0 : i32
      %dma_wait3A_158 = arith.constant 0 : i32
      %dma_wait3A_159 = tpu.memref_slice %arg8[%dma_wait3A_157, %dma_wait3A_158] : memref<16384x1536xf32, #tpu.memory_space<hbm>> -> memref<16x512xf32, #tpu.memory_space<hbm>>
      %dma_wait3A_160 = arith.constant 0 : i32
      %dma_wait3A_161 = arith.constant 0 : i32
      %dma_wait3A_162 = tpu.memref_slice %arg8[%dma_wait3A_160, %dma_wait3A_161] : memref<16384x1536xf32, #tpu.memory_space<hbm>> -> memref<16x512xf32, #tpu.memory_space<hbm>>
      %dma_wait3A_163 = arith.constant 0 : i32
      %dma_wait3A_164 = arith.constant 0 : i32
      %dma_wait3A_165 = tpu.memref_slice %arg10[%dma_wait3A_163, %dma_wait3A_164] : memref<128x512xf32, #tpu.memory_space<vmem>> -> memref<16x512xf32, #tpu.memory_space<vmem>>
      tpu.wait_dma2 semaphore(%arg12 : memref<!tpu.dma_semaphore, #tpu.memory_space<semaphore_mem>>) src(%dma_wait3A_165 : memref<16x512xf32, #tpu.memory_space<vmem>>) dst(%dma_wait3A_162 : memref<16x512xf32, #tpu.memory_space<hbm>>)
    }
    %while3A_153 = arith.constant 1 : i32
    scf.for %while3A_154 = %while3A_151 to %while3A_147 step %while3A_153  : i32 {
      %dma_wait3A = arith.constant 0 : i32
      %dma_wait3A_155 = arith.constant 0 : i32
      %dma_wait3A_156 = tpu.memref_slice %arg10[%dma_wait3A, %dma_wait3A_155] : memref<128x512xf32, #tpu.memory_space<vmem>> -> memref<16x512xf32, #tpu.memory_space<vmem>>
      %dma_wait3A_157 = arith.constant 0 : i32
      %dma_wait3A_158 = arith.constant 0 : i32
      %dma_wait3A_159 = tpu.memref_slice %arg8[%dma_wait3A_157, %dma_wait3A_158] : memref<16384x1536xf32, #tpu.memory_space<hbm>> -> memref<16x512xf32, #tpu.memory_space<hbm>>
      %dma_wait3A_160 = arith.constant 0 : i32
      %dma_wait3A_161 = arith.constant 0 : i32
      %dma_wait3A_162 = tpu.memref_slice %arg8[%dma_wait3A_160, %dma_wait3A_161] : memref<16384x1536xf32, #tpu.memory_space<hbm>> -> memref<16x512xf32, #tpu.memory_space<hbm>>
      %dma_wait3A_163 = arith.constant 0 : i32
      %dma_wait3A_164 = arith.constant 0 : i32
      %dma_wait3A_165 = tpu.memref_slice %arg10[%dma_wait3A_163, %dma_wait3A_164] : memref<128x512xf32, #tpu.memory_space<vmem>> -> memref<16x512xf32, #tpu.memory_space<vmem>>
      tpu.wait_dma2 semaphore(%arg12 : memref<!tpu.dma_semaphore, #tpu.memory_space<semaphore_mem>>) src(%dma_wait3A_165 : memref<16x512xf32, #tpu.memory_space<vmem>>) dst(%dma_wait3A_162 : memref<16x512xf32, #tpu.memory_space<hbm>>)
    }
    return
  }
}

</mosaic_0001>

<sc_bundles>
// kernel: kernel.3.cloned.1.call-start
scs
__scs_entry_jumppad:
0x0: {  	(pc) =	sbr.rel $0x88, $3  }
0x1: {  	(tag) =	ssettag $0x0;
	lr =	simm.s32 $0x1  }
0x2: {  	[smem:$0x3F9B] =	sst lr;
	_ =	strace $0xD0000000  }
0x3: {  	_ = 	snop  }
0x4: {  	_ = 	snop  }
0x5: {  	_ = 	snop  }
0x6: {  	_ = 	snop  }
0x7: {  	_ = 	snop  }
__scs_overlays_trampoline_lowered:
0x8: {  	[smem:$0x3FAA] =	sst s0  }
0x9: {  	[smem:$0x3FAB] =	sst s1  }
0xa: {  	[smem:$0x3FAC] =	sst s2  }
0xb: {  	[smem:$0x3FAD] =	sst s3  }
0xc: {  	[smem:$0x3FAE] =	sst s4  }
0xd: {  	[smem:$0x3FAF] =	sst s5  }
0xe: {  	[smem:$0x3FB0] =	sst s6  }
0xf: {  	[smem:$0x3FB1] =	sst s7  }
0x10: {  	[smem:$0x3FB2] =	sst s8  }
0x11: {  	[smem:$0x3FB3] =	sst s9;
	s0 =	simm.s32 @!p0 $0x0  }
0x12: {  	s1 =	sld [smem:$0x3F99];
	s0 =	simm.s32 @p0 $0x1  }
0x13: {  	[smem:$0x3FB4] =	sst s0;
	s0 =	simm.s32 @!p1 $0x0  }
0x14: {  	s2 =	sld [smem:$0x3F98];
	s0 =	simm.s32 @p1 $0x1  }
0x15: {  	[smem:$0x3FB5] =	sst s0;
	s0 =	simm.s32 @!p2 $0x0  }
0x16: {  	s3 =	sld [smem:$0x3FDB];
	s0 =	simm.s32 @p2 $0x1  }
0x17: {  	s4 =	simm.s32 $0x1BF5;
	[smem:$0x3FB7] =	sst s0  }
0x18: {  	s0 =	sld [smem:$0x3F9A];
	_ =	swait.ge [sflag:s4], $0x0  }
0x19: {  	s7 =	sld [smem:$0x3F9B]  }
0x1a: {  	s8 =	sadd.s32 $0xFFFFE003, lr  }
0x1b: {  	s9 =	sadd.s32 $0xFFFFFEF7, lr;
	s5 =	simm.s32 $0xFFFFFFFF;
	p2 =	slt.u32 s8, $0xFFFFF086  }
0x1c: {  	p1 =	slt.u32 s9, $0xF7A;
	s5 =	simm.s32 @!p2 $0x0  }
0x1d: {  	s5 =	simm.s32 @p1 $0x1;
	p0 =	seq.s32 s7, s2  }
0x1e: {  	s7 =	smul.u32 @!p0 $0xF7A, s2;
	p2 =	seq.s32 @!p0 s5, $0x0  }
0x1f: {  	s9 =	smul.u32 $0xF7A, s1;
	s8 =	simm.s32 @!p0 $0x1BF5;
	p2 =	por !p2, p0  }
0x20: {  	[sflag:s8] =	ssyncset.s32 @!p0 $0xFFFFF086;
	s6 =	sadd.s32 @!p0 s3, s7;
	s7 =	simm.s32 @!p0 $0x108  }
0x21: {  	s3 =	sadd.s32 s3, s9;
	s6 =	sadd.s32 @!p0 $0x88, s6;
	s7 =	simm.s32 @p2 $0x1082  }
0x22: {  	[simem:s7], [sflag:s8] =	dma.local @!p0 [hbm:s6], $0xF7A  }
0x23: {  	s9 =	sor.u32 $0xD0000000, s2;
	s6 =	simm.s32 $0x108;
	_ =	swait.ge @!p0 [sflag:s8], $0x0  }
0x24: {  	s3 =	sadd.s32 $0x88, s3;
	s6 =	simm.s32 @!p1 $0x1082;
	[sflag:s4] =	ssyncset.s32 $0xFFFFF086  }
0x25: {  	[simem:s6], [sflag:s4] =	dma.local [hbm:s3], $0xF7A  }
0x26: {  	[smem:$0x3F9B] =	sst s1;
	(tag) =	ssettag s2;
	_ =	strace s9  }
0x27: {  	s1 =	sld [smem:$0x3FAB]  }
0x28: {  	s2 =	sld [smem:$0x3FAC]  }
0x29: {  	s4 =	sld [smem:$0x3FAE]  }
0x2a: {  	p0 =	seq.s32 s5, $0x0;
	s5 =	sld [smem:$0x3FAF]  }
0x2b: {  	s6 =	sld [smem:$0x3FB0]  }
0x2c: {  	s7 =	sld [smem:$0x3FB1]  }
0x2d: {  	s3 =	simm.s32 $0x108;
	s8 =	sld [smem:$0x3FB2]  }
0x2e: {  	s3 =	simm.s32 @!p0 $0x1082;
	s9 =	sld [smem:$0x3FB3]  }
0x2f: {  	lr =	sadd.s32 s0, s3;
	s0 =	sld [smem:$0x3FAA]  }
0x30: {  	s3 =	sld [smem:$0x3FAD]  }
0x31: {  	[smem:$0x3FB6] =	sst s10  }
0x32: {  	s10 =	sld [smem:$0x3FB4];
	_ =	sdelay $0x3  }
0x33: {  	p0 =	seq.s32 s10, $0x1;
	s10 =	sld [smem:$0x3FB6];
	_ =	sdelay $0x3  }
0x34: {  	[smem:$0x3FB6] =	sst s10  }
0x35: {  	s10 =	sld [smem:$0x3FB5];
	_ =	sdelay $0x3  }
0x36: {  	p1 =	seq.s32 s10, $0x1;
	s10 =	sld [smem:$0x3FB6];
	_ =	sdelay $0x3  }
0x37: {  	[smem:$0x3FB6] =	sst s10  }
0x38: {  	s10 =	sld [smem:$0x3FB7]  }
0x39: {  	_ = 	snop;
	(pc) =	sbr.ind lr, $3  }
0x3a: {  	_ = 	snop  }
0x3b: {  	_ = 	snop  }
0x3c: {  	p2 =	seq.s32 s10, $0x1;
	s10 =	sld [smem:$0x3FB6]  }
0x3d: {  	_ =	shalt  }
0x3e: {  	_ =	shalt  }
0x3f: {  	_ =	shalt  }
0x40: {  	_ =	shalt  }
0x41: {  	_ =	shalt  }
0x42: {  	_ =	shalt  }
0x43: {  	_ =	shalt  }
0x44: {  	_ =	shalt  }
0x45: {  	_ =	shalt  }
0x46: {  	_ =	shalt  }
0x47: {  	_ =	shalt  }
0x48: {  	_ =	shalt  }
0x49: {  	_ =	shalt  }
0x4a: {  	_ =	shalt  }
0x4b: {  	_ =	shalt  }
0x4c: {  	_ =	shalt  }
0x4d: {  	_ =	shalt  }
0x4e: {  	_ =	shalt  }
0x4f: {  	_ =	shalt  }
0x50: {  	_ =	shalt  }
0x51: {  	_ =	shalt  }
0x52: {  	_ =	shalt  }
0x53: {  	_ =	shalt  }
0x54: {  	_ =	shalt  }
0x55: {  	_ =	shalt  }
0x56: {  	_ =	shalt  }
0x57: {  	_ =	shalt  }
0x58: {  	_ =	shalt  }
0x59: {  	_ =	shalt  }
0x5a: {  	_ =	shalt  }
0x5b: {  	_ =	shalt  }
0x5c: {  	_ =	shalt  }
0x5d: {  	_ =	shalt  }
0x5e: {  	_ =	shalt  }
0x5f: {  	_ =	shalt  }
0x60: {  	_ =	shalt  }
0x61: {  	_ =	shalt  }
0x62: {  	_ =	shalt  }
0x63: {  	_ =	shalt  }
0x64: {  	_ =	shalt  }
0x65: {  	_ =	shalt  }
0x66: {  	_ =	shalt  }
0x67: {  	_ =	shalt  }
0x68: {  	_ =	shalt  }
0x69: {  	_ =	shalt  }
0x6a: {  	_ =	shalt  }
0x6b: {  	_ =	shalt  }
0x6c: {  	_ =	shalt  }
0x6d: {  	_ =	shalt  }
0x6e: {  	_ =	shalt  }
0x6f: {  	_ =	shalt  }
0x70: {  	_ =	shalt  }
0x71: {  	_ =	shalt  }
0x72: {  	_ =	shalt  }
0x73: {  	_ =	shalt  }
0x74: {  	_ =	shalt  }
0x75: {  	_ =	shalt  }
0x76: {  	_ =	shalt  }
0x77: {  	_ =	shalt  }
0x78: {  	_ =	shalt  }
0x79: {  	_ =	shalt  }
0x7a: {  	_ =	shalt  }
0x7b: {  	_ =	shalt  }
0x7c: {  	_ =	shalt  }
0x7d: {  	_ =	shalt  }
0x7e: {  	_ =	shalt  }
0x7f: {  	_ =	shalt  }
0x80: {  	_ =	shalt  }
0x81: {  	_ =	shalt  }
0x82: {  	_ =	shalt  }
0x83: {  	_ =	shalt  }
0x84: {  	_ =	shalt  }
0x85: {  	_ =	shalt  }
0x86: {  	_ =	shalt  }
0x87: {  	_ =	shalt  }
.Lfunc_end0:
.L_simem_size_0:
called_computation_lowered:
.L_overlay_start_0:
0x88: {  	s2 =	sld [smem:$0x3FD9]  }
0x89: {  	s3 =	sld [smem:$0x3FFE];
	_ =	sdelay $0x1  }
0x8a: {  	s1 =	srdreg.scid  }
0x8b: {  	s0 =	sand.u32 $0x1, s1  }
0x8c: {  	s17 =	sshll.u32 s0, $0xA;
	s2 =	sadd.s32 s3, s2  }
0x8d: {  	s2 =	sadd.s32 s2, s17  }
0x8e: {  	[smem:$0x3FC2] =	sst s2  }
0x8f: {  	_ = 	snop  }
0x90: {  	s2 =	sld [smem:$0x3FC6]  }
0x91: {  	s18 =	sld [smem:$0x3FC5]  }
0x92: {  	s4 =	sld [smem:$0x3FC4]  }
0x93: {  	s5 =	sld [smem:$0x3FD0];
	(tm) =	ssettm $0x1  }
0x94: {  	s6 =	sld [smem:$0x3FFB];
	_ =	sdelay $0x3  }
0x95: {  	_ =	strace s6  }
0x96: {  	s6 =	sld [smem:$0x3FFC];
	_ =	sdelay $0x3  }
0x97: {  	_ =	strace s6  }
0x98: {  	s6 =	sld [smem:$0x3FFD];
	_ =	sdelay $0x3  }
0x99: {  	_ =	strace s6  }
0x9a: {  	_ =	strace $0x8FFFFFFF  }
0x9b: {  	s19 =	sld [smem:$0x3FDB];
	_ =	sdelay $0x1  }
0x9c: {  	s7 =	simm.s32 $_scs_section_size  }
0x9d: {  	s8 =	simm.s32 $_size__tile_overlayer_lowered;
	s9 =	simm.s32 $_tile_overlayer_lowered  }
0x9e: {  	s22 =	simm.s32 $0x1BFF;
	s21 =	sshll.u32 s9, $0x1;
	s6 =	sadd.s32 s7, s19  }
0x9f: {  	s10 =	simm.s32 $0x0;
	s20 =	sshll.u32 s8, $0x1;
	s8 =	sadd.s32 s21, s6  }
0xa0: {  	[timem:s10], [sflag:s22] =	dma.local [hbm:s8], s20  }
0xa1: {  	_ =	swait.ge [sflag:s22], s20  }
0xa2: {  	s7 =	ssub.s32 $0x0, s20;
	[sflag:s22] =	ssyncset.done $0x0  }
0xa3: {  	[sflag:s22] =	ssyncadd.s32 s7;
	_ =	sdelay $0x1  }
0xa4: {  	s23 =	simm.s32 $0x1B8B  }
0xa5: {  	_ =	swait.ge [sflag:s23], $0x1  }
0xa6: {  	[sflag:s23] =	ssyncset.done $0x0  }
0xa7: {  	s25 =	simm.s32 $0x1B8E;
	s24 =	sld [smem:$0x3FFE];
	[sflag:s23] =	ssyncadd.s32 $0xFFFFFFFF  }
0xa8: {  	s26 =	simm.s32 $execute0_lowered;
	[smem:$0x3FD2] =	sst s25  }
0xa9: {  	s8 =	sshll.u32 s26, $0x1;
	_ =	strace $0x80000046;
	[dreg:$0x1] =	wrdreg $0xFFFFFFFF  }
0xaa: {  	s28 =	simm.s32 $_size_execute0_lowered;
	s6 =	sadd.s32 s6, s8;
	[dreg:$0x0] =	wrdreg $0x0  }
0xab: {  	s8 =	sshll.u32 s28, $0x1;
	[dreg:$0x2] =	wrdreg s6  }
0xac: {  	[dreg:$0x3] =	wrdreg s8  }
0xad: {  	[dreg:$0x4] =	wrdreg $0xC0  }
0xae: {  	_ =	task [dreg:s10], $0x5FFFF  }
0xaf: {  	[dreg:$0x1] =	wrdreg $0xFFFFFFFF  }
0xb0: {  	[dreg:$0x0] =	wrdreg $0x60  }
0xb1: {  	[dreg:$0x2] =	wrdreg s24  }
0xb2: {  	[dreg:$0x3] =	wrdreg s2  }
0xb3: {  	[dreg:$0x4] =	wrdreg s18  }
0xb4: {  	[dreg:$0x5] =	wrdreg s4  }
0xb5: {  	[dreg:$0x6] =	wrdreg s5  }
0xb6: {  	[dreg:$0x7] =	wrdreg $0x0  }
0xb7: {  	[dreg:$0x8] =	wrdreg $0x9  }
0xb8: {  	_ =	task.clear_ibuf [dreg:s10], $0x9FFFF;
	_ =	strace $0x90000046  }
0xb9: {  	s29 =	simm.s32 $0x9;
	_ =	strace $0x80000048  }
0xba: {  	_ =	swait.ge [sflag:s29], $0x1  }
0xbb: {  	[sflag:s29] =	ssyncadd.s32 $0xFFFFFFFF  }
0xbc: {  	_ =	strace $0x90000048  }
0xbd: {  	_ =	sfence  }
0xbe: {  	s30 =	sld [smem:$0x0];
	_ =	sdelay $0x2  }
0xbf: {  	s31 =	sshll.u32 s1, $0xD;
	s1 =	sshrl.u32 s1, $0x2  }
0xc0: {  	s3 =	sand.u32 $0x4000, s31;
	s1 =	sadd.s32 s1, s30  }
0xc1: {  	s0 =	sor.u32 s3, s0;
	s1 =	sshll.u32 s1, $0x11  }
0xc2: {  	s0 =	sor.u32 s1, s0  }
0xc3: {  	s0 =	sadd.s32 $0x8F2B, s0  }
0xc4: {  	[sflag:s0] =	ssyncadd.remote.s32 $0x1  }
0xc5: {  	_ =	sfence.sel $0xFFFF  }
0xc6: {  	[dreg:$0x0] =	wrdreg $0xFFFFFFFF;
	(pc) =	sbr.abs _section_cstart, $3  }
0xc7: {  	[dreg:$0x1] =	wrdreg $0xFFFFFFFF  }
0xc8: {  	_ =	task.clear_ibuf [dreg:s10], $0x2FFFF;
	_ =	strace $0x9FFFFFFF  }
0xc9: {  	(tm) =	ssettm $0x7FFFFFFF  }
tec
execute0_lowered:
.L_overlay_start_1:
0x0: {  	(tag) =	ssettag $0x1  }
0x1: {  	s1 =	rddreg [dreg:$0x0]  }
0x2: {  	s2 =	srdreg.scid;
	s16 =	rddreg [dreg:$0x4]  }
0x3: {  	s0 =	stileid.u32;
	s12 =	rddreg [dreg:$0x5];
	s6 =	simm.s32 $0x0  }
0x4: {  	s10 =	simm.s32 $0x9;
	s2 =	sand.u32 $0x1, s2;
	s3 =	sshll.u32 s0, $0x1  }
0x5: {  	[smem:$0x7FF] =	sst s6;
	s7 =	sadd.s32 $0x400, s1;
	s13 =	sadd.s32 $0xC00, s1  }
0x6: {  	s1 =	sadd.s32 $0x1400, s1;
	s22 =	smul.u32 $0x6, s0;
	s11 =	sadd.s32 $0x20000, s12  }
0x7: {  	s28 =	sadd.s32 $0x20, s16;
	s17 =	sadd.s32 $0x30, s16;
	s18 =	sadd.s32 $0x50, s16  }
0x8: {  	s3 =	sor.u32 s2, s3;
	s8 =	ssub.s32 $0x2, s2;
	s2 =	smul.u32 $0x3, s2  }
0x9: {  	s19 =	sadd.s32 $0x70, s16;
	s4 =	smul.u32 $0x3, s3;
	s9 =	sshrl.u32 s8, $0x1  }
0xa: {  	_ =	strace $0x80000047;
	[dreg:$0x14] =	wrdreg s1;
	s21 =	ssub.s32 s8, s9  }
0xb: {  	s9 =	simm.s32 $0x660;
	s2 =	sadd.s32 s2, s22;
	s5 =	sand.u32 $0x60, s4  }
0xc: {  	s4 =	sshrl.u32 s4, $0x5;
	s2 =	sand.u32 $0xE0, s2;
	s30 =	smax.u32 s21, $0x1  }
0xd: {  	s5 =	sor.u32 $0x2, s5;
	p0 =	seq.s32 s4, $0x2;
	s2 =	sor.u32 $0x2, s2  }
0xe: {  	s23 =	sshll.u32 s4, $0x10;
	s14 =	sshll.u32 s4, $0xC;
	p3 =	seq.s32 s4, $0x0  }
0xf: {  	[dreg:$0x19] =	wrdreg s30;
	s5 =	smul.u32 $0x56, s5;
	s9 =	simm.s32 @!p0 $0x5C0  }
0x10: {  	s10 =	simm.s32 @!p0 $0xA;
	s2 =	smulhi.u32 $0x55555556, s2;
	s25 =	sadd.s32 s23, s12  }
0x11: {  	s26 =	sadd.s32 $0x3000, s14;
	s13 =	smov.u32 @p3 s7;
	[dreg:$0x8] =	wrdreg s14  }
0x12: {  	[dreg:$0x17] =	wrdreg s25;
	s5 =	sshrl.u32 s5, $0x8;
	s2 =	ssub.s32 s3, s2  }
0x13: {  	[dreg:$0x7] =	wrdreg s26;
	s5 =	ssub.s32 s3, s5;
	s24 =	smul.u32 s2, s9  }
0x14: {  	s26 =	sadd.s32 $0x10, s16;
	[dreg:$0x13] =	wrdreg s13;
	s8 =	smul.u32 s9, s5  }
0x15: {  	p1 =	seq.s32 s5, s10;
	s5 =	simm.s32 $0x6A0;
	s10 =	smov.u32 s9  }
0x16: {  	s5 =	simm.s32 @!p0 $0x680;
	s2 =	smov.u32 s24;
	[dreg:$0x16] =	wrdreg s24  }
0x17: {  	s29 =	sshll.u32 s24, $0x2;
	s10 =	smov.u32 @p1 s5;
	p1 =	slt.s32 s24, $0x3960  }
0x18: {  	p2 =	slt.s32 s8, $0x3960;
	s5 =	sadd.s32 $0x10000, s12;
	s2 =	simm.s32 @!p1 $0x3960  }
0x19: {  	s12 =	sadd.s32 $0x40, s16;
	s8 =	simm.s32 @!p2 $0x3960;
	s2 =	sshll.u32 s2, $0x2  }
0x1a: {  	s10 =	sshrl.u32 s10, $0x4;
	[dreg:$0x9] =	wrdreg s12;
	s2 =	ssub.s32 s29, s2  }
0x1b: {  	s8 =	sshrl.u32 s8, $0x3;
	[dreg:$0x18] =	wrdreg s10;
	s31 =	sshra.s32 s2, $0x2  }
0x1c: {  	p1 =	sne.s32 s0, $0x0;
	[dreg:$0x15] =	wrdreg s8;
	s0 =	sadd.s32 $0x13000, s31  }
0x1d: {  	s25 =	sadd.s32 $0x60, s16;
	[dreg:$0x1a] =	wrdreg s0;
	s0 =	sshrl.u32 @!p1 s5, $0x3  }
0x1e: {  	p2 =	sgt.s32 s4, $0x1;
	[dreg:$0x1b] =	wrdreg s0;
	s0 =	sshrl.u32 @!p1 s11, $0x3  }
0x1f: {  	s4 =	simm.s32 $0x2;
	s2 =	simm.s32 $0x0;
	[dreg:$0x1c] =	wrdreg s0  }
.LBB2_1:
0x20: {  	[dreg:$0x1d] =	wrdreg s2  }
0x21: {  	s0 =	rddreg [dreg:$0x5]  }
0x22: {  	s1 =	simm.s32 @!p1 $0x1C02;
	s2 =	rddreg [dreg:$0x1];
	s0 =	sshrl.u32 @!p1 s0, $0x3  }
0x23: {  	[spmem:s0], [sflag:s1] =	dma.local @!p1 [hbm:s2], $0x2000  }
0x24: {  	s0 =	simm.s32 @!p1 $0x2  }
0x25: {  	_ =	swait.ge @!p1 [sflag:s0], $0x2000  }
0x26: {  	[sflag:s0] =	ssyncset.done @!p1 $0x0  }
0x27: {  	s3 =	rddreg [dreg:$0x1b];
	[sflag:s0] =	ssyncadd.s32 @!p1 $0xFFFFE000  }
0x28: {  	s2 =	rddreg [dreg:$0x2]  }
0x29: {  	[spmem:s3], [sflag:s1] =	dma.local @!p1 [hbm:s2], $0x2000  }
0x2a: {  	_ =	swait.ge @!p1 [sflag:s0], $0x2000  }
0x2b: {  	[sflag:s0] =	ssyncset.done @!p1 $0x0  }
0x2c: {  	s3 =	rddreg [dreg:$0x1c];
	[sflag:s0] =	ssyncadd.s32 @!p1 $0xFFFFE000  }
.Ltmp0:
0x2d: {  	s2 =	rddreg [dreg:$0x3];
	(pc) =	sbr.rel @p2 .LBB2_3-.Ltmp0, $4  }
0x2e: {  	[spmem:s3], [sflag:s1] =	dma.local @!p1 [hbm:s2], $0x2000  }
0x2f: {  	_ =	swait.ge @!p1 [sflag:s0], $0x2000  }
0x30: {  	[sflag:s0] =	ssyncset.done @!p1 $0x0  }
0x31: {  	[sflag:s0] =	ssyncadd.s32 @!p1 $0xFFFFE000  }
.Ltmp1:
0x32: {  	(pc) =	sbr.rel .LBB2_5-.Ltmp1, $2  }
0x33: {  	_ =	sdelay $0x2  }
0x34: {  	s0 =	rddreg [dreg:$0x13]  }
.LBB2_3:
.Ltmp2:
0x35: {  	(pc) =	sbr.rel @!p0 .LBB2_6-.Ltmp2, $1  }
0x36: {  	_ =	sdelay $0x3  }
0x37: {  	s0 =	rddreg [dreg:$0x14]  }
.LBB2_5:
0x38: {  	s1 =	rddreg [dreg:$0x15]  }
0x39: {  	s31 =	simm.s32 $0x13000;
	s0 =	sadd.s32 s0, s1  }
0x3a: {  	[tilespmem:s31], [sflag:$0x2] =	stream.linear.gather [hbm4b:s0+s6], $0x6A0, $0x38;
	[tilespmem:$0x13700] =	vst v63  }
0x3b: {  	_ =	swait.ge [sflag:s4], $0x6A0  }
0x3c: {  	[sflag:s4] =	ssyncset.done $0x0  }
0x3d: {  	[sflag:s4] =	ssyncadd.s32 $0xFFFFF960  }
.LBB2_6:
0x3e: {  	[bflag:$0x0] =	sbarrier.arrive $0xFFFF  }
0x3f: {  	s1 =	simm.s32 $0x3000;
	s0 =	rddreg [dreg:$0x17]  }
0x40: {  	[tilespmem:s1], [sflag:$0x2] =	stream.linear.gather [spmem:s0], $0x10000, $0x38;
	[tilespmem:$0x13700] =	vst v63  }
0x41: {  	_ =	swait.ge [sflag:s4], $0x10000  }
0x42: {  	[sflag:s4] =	ssyncset.done $0x0  }
0x43: {  	s11 =	rddreg [dreg:$0x1a];
	[sflag:s4] =	ssyncadd.s32 $0xFFFF0000  }
0x44: {  	v0 =	vld [tilespmem:s11+$0x0];
	_ =	sdelay $0x4  }
0x45: {  	(v2sf) =	vpush v0, $0x2  }
0x46: {  	(v2sf) =	vpush v0, $0x0  }
0x47: {  	(v2sf) =	vpush v0, $0x1;
	_ =	sdelay $0x9  }
0x48: {  	s9 =	rddreg [dreg:$0x16]  }
0x49: {  	s5 =	sshrl.u32 s9, $0x3  }
0x4a: {  	s1 =	smul.u32 $0x3000, s5  }
0x4b: {  	s2 =	spop (v2sf)  }
0x4c: {  	p3 =	sne.s32 s10, $0x1;
	s8 =	sadd.s32 s14, s1;
	s7 =	spop (v2sf)  }
0x4d: {  	s3 =	sshll.u32 s7, $0x9;
	s0 =	sshll.u32 s7, $0x7;
	s21 =	spop (v2sf)  }
0x4e: {  	s3 =	sand.u32 $0xFFFFF000, s3;
	s5 =	sand.u32 $0x380, s0;
	s0 =	sshrl.u32 s8, $0x3  }
0x4f: {  	s22 =	sshll.u32 s21, $0x9;
	s3 =	sor.u32 s5, s3;
	s4 =	sadd.s32 s16, s0  }
0x50: {  	(v2sf) =	vpush v0, $0x3;
	s24 =	sadd.s32 s0, s26;
	s5 =	sadd.s32 $0x3000, s3;
	s13 =	sadd.s32 $0x80, s4  }
0x51: {  	s7 =	sadd.s32 $0x3400, s3;
	s15 =	sadd.s32 $0x100, s4;
	s20 =	sadd.s32 $0x3800, s3  }
0x52: {  	[hbm4b:s4+s6] =	stream.linear.scatter [tilespmem:s5], [sflag:$0x1], $0x80, $0x38;
	[tilespmem:$0x13700] =	vst v63  }
0x53: {  	s3 =	sadd.s32 $0x3C00, s3;
	s30 =	sadd.s32 $0x80, s24;
	s5 =	sshll.u32 s21, $0x7  }
0x54: {  	s8 =	sadd.s32 $0x100, s24;
	s4 =	sadd.s32 $0x180, s4;
	s5 =	sand.u32 $0x380, s5  }
0x55: {  	[hbm4b:s13+s6] =	stream.linear.scatter [tilespmem:s7], [sflag:$0x1], $0x80, $0x38;
	[tilespmem:$0x13700] =	vst v63  }
0x56: {  	s7 =	sand.u32 $0xFFFFF000, s22;
	s13 =	sshll.u32 s2, $0x9;
	s2 =	sshll.u32 s2, $0x7  }
0x57: {  	[hbm4b:s15+s6] =	stream.linear.scatter [tilespmem:s20], [sflag:$0x1], $0x80, $0x38;
	[tilespmem:$0x13700] =	vst v63  }
0x58: {  	(v2sf) =	vpush v0, $0x4;
	s21 =	sadd.s32 s0, s28;
	s5 =	sor.u32 s5, s7;
	s2 =	sand.u32 $0x380, s2  }
0x59: {  	[hbm4b:s4+s6] =	stream.linear.scatter [tilespmem:s3], [sflag:$0x1], $0x80, $0x38;
	[tilespmem:$0x13700] =	vst v63  }
0x5a: {  	s23 =	sadd.s32 $0x3000, s5;
	s29 =	sadd.s32 $0x3400, s5;
	s3 =	sand.u32 $0xFFFFF000, s13  }
0x5b: {  	s7 =	sadd.s32 $0x3800, s5;
	s15 =	sadd.s32 $0x3C00, s5;
	s2 =	sor.u32 s2, s3  }
0x5c: {  	[hbm4b:s24+s6] =	stream.linear.scatter [tilespmem:s23], [sflag:$0x1], $0x80, $0x38;
	[tilespmem:$0x13700] =	vst v63  }
0x5d: {  	s4 =	sadd.s32 $0x180, s24;
	s20 =	sadd.s32 $0x3000, s2;
	s22 =	sadd.s32 $0x3400, s2  }
0x5e: {  	[hbm4b:s30+s6] =	stream.linear.scatter [tilespmem:s29], [sflag:$0x1], $0x80, $0x38;
	[tilespmem:$0x13700] =	vst v63  }
0x5f: {  	s23 =	sadd.s32 $0x80, s21;
	s24 =	spop (v2sf);
	s29 =	sadd.s32 $0x3800, s2  }
0x60: {  	(v2sf) =	vpush v0, $0x5;
	[hbm4b:s8+s6] =	stream.linear.scatter [tilespmem:s7], [sflag:$0x1], $0x80, $0x38;
	[tilespmem:$0x13700] =	vst v63  }
0x61: {  	s30 =	sadd.s32 $0x100, s21;
	s3 =	sshll.u32 s24, $0x7;
	s7 =	sshll.u32 s24, $0x9  }
0x62: {  	[hbm4b:s4+s6] =	stream.linear.scatter [tilespmem:s15], [sflag:$0x1], $0x80, $0x38;
	[tilespmem:$0x13700] =	vst v63  }
0x63: {  	s2 =	sadd.s32 $0x3C00, s2;
	s3 =	sand.u32 $0x380, s3;
	s5 =	sand.u32 $0xFFFFF000, s7  }
0x64: {  	[hbm4b:s21+s6] =	stream.linear.scatter [tilespmem:s20], [sflag:$0x1], $0x80, $0x38;
	[tilespmem:$0x13700] =	vst v63  }
0x65: {  	s8 =	sadd.s32 s0, s17;
	s3 =	sor.u32 s3, s5;
	s4 =	sadd.s32 $0x180, s21  }
0x66: {  	[hbm4b:s23+s6] =	stream.linear.scatter [tilespmem:s22], [sflag:$0x1], $0x80, $0x38;
	[tilespmem:$0x13700] =	vst v63  }
0x67: {  	s13 =	sadd.s32 $0x3000, s3;
	s15 =	sadd.s32 $0x3400, s3;
	s21 =	spop (v2sf)  }
0x68: {  	[hbm4b:s30+s6] =	stream.linear.scatter [tilespmem:s29], [sflag:$0x1], $0x80, $0x38;
	[tilespmem:$0x13700] =	vst v63  }
0x69: {  	s20 =	sadd.s32 $0x80, s8;
	(v2sf) =	vpush v0, $0x6;
	s24 =	sshll.u32 s21, $0x9;
	s22 =	sadd.s32 $0x3800, s3  }
0x6a: {  	[hbm4b:s4+s6] =	stream.linear.scatter [tilespmem:s2], [sflag:$0x1], $0x80, $0x38;
	[tilespmem:$0x13700] =	vst v63  }
0x6b: {  	s23 =	sadd.s32 $0x100, s8;
	s5 =	sand.u32 $0xFFFFF000, s24;
	s4 =	sshll.u32 s21, $0x7  }
0x6c: {  	[hbm4b:s8+s6] =	stream.linear.scatter [tilespmem:s13], [sflag:$0x1], $0x80, $0x38;
	[tilespmem:$0x13700] =	vst v63  }
0x6d: {  	s3 =	sadd.s32 $0x3C00, s3;
	s29 =	sadd.s32 s0, s12;
	s4 =	sand.u32 $0x380, s4  }
0x6e: {  	[hbm4b:s20+s6] =	stream.linear.scatter [tilespmem:s15], [sflag:$0x1], $0x80, $0x38;
	[tilespmem:$0x13700] =	vst v63  }
0x6f: {  	s2 =	sadd.s32 $0x180, s8;
	s4 =	sor.u32 s4, s5;
	s8 =	spop (v2sf)  }
0x70: {  	(v2sf) =	vpush v0, $0x7;
	[hbm4b:s23+s6] =	stream.linear.scatter [tilespmem:s22], [sflag:$0x1], $0x80, $0x38;
	[tilespmem:$0x13700] =	vst v63  }
0x71: {  	s7 =	sadd.s32 $0x80, s29;
	s21 =	sadd.s32 s0, s18;
	s30 =	sadd.s32 $0x3000, s4  }
0x72: {  	[hbm4b:s2+s6] =	stream.linear.scatter [tilespmem:s3], [sflag:$0x1], $0x80, $0x38;
	[tilespmem:$0x13700] =	vst v63  }
0x73: {  	s5 =	sadd.s32 $0x3400, s4;
	s13 =	sadd.s32 $0x3800, s4;
	s4 =	sadd.s32 $0x3C00, s4  }
0x74: {  	[hbm4b:s29+s6] =	stream.linear.scatter [tilespmem:s30], [sflag:$0x1], $0x80, $0x38;
	[tilespmem:$0x13700] =	vst v63  }
0x75: {  	s15 =	sadd.s32 $0x100, s29;
	s20 =	sshll.u32 s8, $0x9;
	s3 =	sshll.u32 s8, $0x7  }
0x76: {  	[hbm4b:s7+s6] =	stream.linear.scatter [tilespmem:s5], [sflag:$0x1], $0x80, $0x38;
	[tilespmem:$0x13700] =	vst v63  }
0x77: {  	s23 =	sadd.s32 $0x80, s21;
	s3 =	sand.u32 $0x380, s3;
	s5 =	sand.u32 $0xFFFFF000, s20  }
0x78: {  	s2 =	sadd.s32 $0x180, s29;
	s24 =	spop (v2sf);
	s3 =	sor.u32 s3, s5  }
0x79: {  	[hbm4b:s15+s6] =	stream.linear.scatter [tilespmem:s13], [sflag:$0x1], $0x80, $0x38;
	[tilespmem:$0x13700] =	vst v63  }
0x7a: {  	s30 =	sadd.s32 $0x100, s21;
	s8 =	sshll.u32 s24, $0x9;
	s22 =	sadd.s32 $0x3000, s3  }
0x7b: {  	s5 =	sadd.s32 $0x3400, s3;
	s29 =	sadd.s32 $0x3800, s3;
	s15 =	rddreg [dreg:$0x7]  }
0x7c: {  	[hbm4b:s2+s6] =	stream.linear.scatter [tilespmem:s4], [sflag:$0x1], $0x80, $0x38;
	[tilespmem:$0x13700] =	vst v63  }
0x7d: {  	(v2sf) =	vpush v0, $0x8;
	s3 =	sadd.s32 $0x3C00, s3;
	s1 =	sadd.s32 s15, s1;
	s4 =	sshll.u32 s24, $0x7  }
0x7e: {  	[hbm4b:s21+s6] =	stream.linear.scatter [tilespmem:s22], [sflag:$0x1], $0x80, $0x38;
	[tilespmem:$0x13700] =	vst v63  }
0x7f: {  	(v2sf) =	vpush v0, $0x9;
	s2 =	sadd.s32 $0x180, s21;
	s31 =	sshrl.u32 s1, $0x3;
	s22 =	spop (v2sf)  }
0x80: {  	[hbm4b:s23+s6] =	stream.linear.scatter [tilespmem:s5], [sflag:$0x1], $0x80, $0x38;
	[tilespmem:$0x13700] =	vst v63  }
0x81: {  	s4 =	sand.u32 $0x380, s4;
	s5 =	sand.u32 $0xFFFFF000, s8;
	s23 =	sshll.u32 s22, $0x9  }
0x82: {  	s4 =	sor.u32 s4, s5;
	s5 =	sshll.u32 s22, $0x7;
	s24 =	sand.u32 $0xFFFFF000, s23  }
0x83: {  	[hbm4b:s30+s6] =	stream.linear.scatter [tilespmem:s29], [sflag:$0x1], $0x80, $0x38;
	[tilespmem:$0x13700] =	vst v63  }
0x84: {  	s13 =	sadd.s32 $0x3000, s4;
	s21 =	sadd.s32 $0x3400, s4;
	s29 =	sand.u32 $0x380, s5  }
0x85: {  	s30 =	sadd.s32 $0x3800, s4;
	s8 =	sadd.s32 $0x3C00, s4;
	s1 =	sor.u32 s29, s24  }
0x86: {  	[hbm4b:s2+s6] =	stream.linear.scatter [tilespmem:s3], [sflag:$0x1], $0x80, $0x38;
	[tilespmem:$0x13700] =	vst v63  }
0x87: {  	s2 =	sadd.s32 s0, s25;
	s0 =	sadd.s32 s0, s19;
	s15 =	sadd.s32 $0x3000, s1  }
0x88: {  	s22 =	sadd.s32 $0x3400, s1;
	s24 =	sadd.s32 $0x3800, s1;
	s1 =	sadd.s32 $0x3C00, s1  }
0x89: {  	[hbm4b:s2+s6] =	stream.linear.scatter [tilespmem:s13], [sflag:$0x1], $0x80, $0x38;
	[tilespmem:$0x13700] =	vst v63  }
0x8a: {  	(v2sf) =	vpush v0, $0xA;
	s20 =	sadd.s32 $0x80, s2;
	s7 =	sadd.s32 $0x100, s2;
	s23 =	sadd.s32 $0x80, s0  }
0x8b: {  	[hbm4b:s20+s6] =	stream.linear.scatter [tilespmem:s21], [sflag:$0x1], $0x80, $0x38;
	[tilespmem:$0x13700] =	vst v63  }
0x8c: {  	s29 =	sadd.s32 $0x100, s0;
	s2 =	sadd.s32 $0x180, s2;
	s13 =	spop (v2sf)  }
0x8d: {  	[hbm4b:s7+s6] =	stream.linear.scatter [tilespmem:s30], [sflag:$0x1], $0x80, $0x38;
	[tilespmem:$0x13700] =	vst v63  }
0x8e: {  	s5 =	spop (v2sf);
	s20 =	sshll.u32 s13, $0x9;
	s21 =	sshll.u32 s13, $0x7  }
0x8f: {  	[hbm4b:s2+s6] =	stream.linear.scatter [tilespmem:s8], [sflag:$0x1], $0x80, $0x38;
	[tilespmem:$0x13700] =	vst v63  }
0x90: {  	s3 =	sand.u32 $0xFFFFF000, s20;
	s30 =	sadd.s32 s16, s31;
	s2 =	sand.u32 $0x380, s21  }
0x91: {  	[hbm4b:s0+s6] =	stream.linear.scatter [tilespmem:s15], [sflag:$0x1], $0x80, $0x38;
	[tilespmem:$0x13700] =	vst v63  }
0x92: {  	(v2sf) =	vpush v0, $0xB;
	s7 =	sshll.u32 s5, $0x9;
	s21 =	sadd.s32 $0x100, s30;
	s2 =	sor.u32 s2, s3  }
0x93: {  	[hbm4b:s23+s6] =	stream.linear.scatter [tilespmem:s22], [sflag:$0x1], $0x80, $0x38;
	[tilespmem:$0x13700] =	vst v63  }
0x94: {  	s3 =	sand.u32 $0xFFFFF000, s7;
	s0 =	sadd.s32 $0x180, s0;
	s8 =	sadd.s32 $0x3000, s2  }
0x95: {  	[hbm4b:s29+s6] =	stream.linear.scatter [tilespmem:s24], [sflag:$0x1], $0x80, $0x38;
	[tilespmem:$0x13700] =	vst v63  }
0x96: {  	s13 =	sadd.s32 $0x3400, s2;
	s15 =	sadd.s32 $0x80, s30;
	s20 =	sadd.s32 $0x3800, s2  }
0x97: {  	[hbm4b:s0+s6] =	stream.linear.scatter [tilespmem:s1], [sflag:$0x1], $0x80, $0x38;
	[tilespmem:$0x13700] =	vst v63  }
0x98: {  	s2 =	sadd.s32 $0x3C00, s2;
	s22 =	sadd.s32 s31, s26;
	s1 =	sshll.u32 s5, $0x7  }
0x99: {  	s23 =	spop (v2sf);
	(v2sf) =	vpush v0, $0xC;
	s7 =	sadd.s32 $0x100, s22;
	s1 =	sand.u32 $0x380, s1  }
0x9a: {  	[hbm4b:s30+s6] =	stream.linear.scatter [tilespmem:s8], [sflag:$0x1], $0x80, $0x38;
	[tilespmem:$0x13700] =	vst v63  }
0x9b: {  	s24 =	sshll.u32 s23, $0x9;
	s0 =	sadd.s32 $0x180, s30;
	s1 =	sor.u32 s1, s3  }
0x9c: {  	[hbm4b:s15+s6] =	stream.linear.scatter [tilespmem:s13], [sflag:$0x1], $0x80, $0x38;
	[tilespmem:$0x13700] =	vst v63  }
0x9d: {  	s30 =	sadd.s32 $0x80, s22;
	s8 =	sadd.s32 s31, s28;
	s3 =	sadd.s32 $0x3000, s1  }
0x9e: {  	[hbm4b:s21+s6] =	stream.linear.scatter [tilespmem:s20], [sflag:$0x1], $0x80, $0x38;
	[tilespmem:$0x13700] =	vst v63  }
0x9f: {  	s29 =	sadd.s32 $0x3400, s1;
	s5 =	sadd.s32 $0x3800, s1;
	s1 =	sadd.s32 $0x3C00, s1  }
0xa0: {  	[hbm4b:s0+s6] =	stream.linear.scatter [tilespmem:s2], [sflag:$0x1], $0x80, $0x38;
	[tilespmem:$0x13700] =	vst v63  }
0xa1: {  	s13 =	sadd.s32 $0x80, s8;
	s15 =	spop (v2sf);
	s2 =	sshll.u32 s23, $0x7  }
0xa2: {  	[hbm4b:s22+s6] =	stream.linear.scatter [tilespmem:s3], [sflag:$0x1], $0x80, $0x38;
	[tilespmem:$0x13700] =	vst v63  }
0xa3: {  	s20 =	sshll.u32 s15, $0x9;
	s2 =	sand.u32 $0x380, s2;
	s3 =	sand.u32 $0xFFFFF000, s24  }
0xa4: {  	s0 =	sadd.s32 $0x180, s22;
	s23 =	sadd.s32 $0x100, s8;
	s2 =	sor.u32 s2, s3  }
0xa5: {  	[hbm4b:s30+s6] =	stream.linear.scatter [tilespmem:s29], [sflag:$0x1], $0x80, $0x38;
	[tilespmem:$0x13700] =	vst v63  }
0xa6: {  	s24 =	sadd.s32 $0x180, s8;
	s3 =	sadd.s32 $0x3000, s2;
	s21 =	sadd.s32 $0x3400, s2  }
0xa7: {  	(v2sf) =	vpush v0, $0xD;
	[hbm4b:s7+s6] =	stream.linear.scatter [tilespmem:s5], [sflag:$0x1], $0x80, $0x38;
	[tilespmem:$0x13700] =	vst v63  }
0xa8: {  	s22 =	sadd.s32 $0x3800, s2;
	s2 =	sadd.s32 $0x3C00, s2;
	s29 =	spop (v2sf)  }
0xa9: {  	[hbm4b:s0+s6] =	stream.linear.scatter [tilespmem:s1], [sflag:$0x1], $0x80, $0x38;
	[tilespmem:$0x13700] =	vst v63  }
0xaa: {  	s7 =	sshll.u32 s29, $0x9;
	s1 =	sshll.u32 s15, $0x7;
	s0 =	sadd.s32 s31, s17  }
0xab: {  	[hbm4b:s8+s6] =	stream.linear.scatter [tilespmem:s3], [sflag:$0x1], $0x80, $0x38;
	[tilespmem:$0x13700] =	vst v63  }
0xac: {  	s1 =	sand.u32 $0x380, s1;
	s3 =	sand.u32 $0xFFFFF000, s20;
	s8 =	sshll.u32 s29, $0x7  }
0xad: {  	[hbm4b:s13+s6] =	stream.linear.scatter [tilespmem:s21], [sflag:$0x1], $0x80, $0x38;
	[tilespmem:$0x13700] =	vst v63  }
0xae: {  	s30 =	sadd.s32 $0x80, s0;
	s1 =	sor.u32 s1, s3;
	s15 =	sand.u32 $0x380, s8  }
0xaf: {  	[hbm4b:s23+s6] =	stream.linear.scatter [tilespmem:s22], [sflag:$0x1], $0x80, $0x38;
	[tilespmem:$0x13700] =	vst v63  }
0xb0: {  	s3 =	sadd.s32 $0xFFFFFFFF, s10;
	s10 =	sadd.s32 $0x10, s11;
	s11 =	sadd.s32 $0x10, s9  }
0xb1: {  	[hbm4b:s24+s6] =	stream.linear.scatter [tilespmem:s2], [sflag:$0x1], $0x80, $0x38;
	[tilespmem:$0x13700] =	vst v63  }
0xb2: {  	s5 =	sadd.s32 $0x3000, s1;
	s13 =	sadd.s32 $0x3400, s1;
	s20 =	sadd.s32 $0x3800, s1  }
0xb3: {  	(v2sf) =	vpush v0, $0xE;
	[hbm4b:s0+s6] =	stream.linear.scatter [tilespmem:s5], [sflag:$0x1], $0x80, $0x38;
	[tilespmem:$0x13700] =	vst v63  }
0xb4: {  	s21 =	sadd.s32 $0x100, s0;
	s1 =	sadd.s32 $0x3C00, s1;
	s22 =	sadd.s32 s31, s12  }
0xb5: {  	[hbm4b:s30+s6] =	stream.linear.scatter [tilespmem:s13], [sflag:$0x1], $0x80, $0x38;
	[tilespmem:$0x13700] =	vst v63  }
0xb6: {  	s23 =	spop (v2sf);
	s29 =	sadd.s32 $0x80, s22;
	s5 =	sand.u32 $0xFFFFF000, s7  }
0xb7: {  	[hbm4b:s21+s6] =	stream.linear.scatter [tilespmem:s20], [sflag:$0x1], $0x80, $0x38;
	[tilespmem:$0x13700] =	vst v63  }
0xb8: {  	s8 =	sadd.s32 $0x100, s22;
	s0 =	sadd.s32 $0x180, s0;
	s2 =	sor.u32 s15, s5  }
0xb9: {  	[hbm4b:s0+s6] =	stream.linear.scatter [tilespmem:s1], [sflag:$0x1], $0x80, $0x38;
	[tilespmem:$0x13700] =	vst v63  }
0xba: {  	s24 =	sadd.s32 $0x3000, s2;
	s30 =	sshll.u32 s23, $0x9;
	s5 =	sadd.s32 $0x3400, s2  }
0xbb: {  	[hbm4b:s22+s6] =	stream.linear.scatter [tilespmem:s24], [sflag:$0x1], $0x80, $0x38;
	[tilespmem:$0x13700] =	vst v63  }
0xbc: {  	s7 =	sadd.s32 $0x3800, s2;
	s13 =	sadd.s32 s31, s18;
	s1 =	sshll.u32 s23, $0x7  }
0xbd: {  	[hbm4b:s29+s6] =	stream.linear.scatter [tilespmem:s5], [sflag:$0x1], $0x80, $0x38;
	[tilespmem:$0x13700] =	vst v63  }
0xbe: {  	s2 =	sadd.s32 $0x3C00, s2;
	s4 =	sand.u32 $0xFFFFF000, s30;
	s1 =	sand.u32 $0x380, s1  }
0xbf: {  	[hbm4b:s8+s6] =	stream.linear.scatter [tilespmem:s7], [sflag:$0x1], $0x80, $0x38;
	[tilespmem:$0x13700] =	vst v63  }
0xc0: {  	s15 =	sadd.s32 $0x80, s13;
	s0 =	sadd.s32 $0x180, s22;
	s1 =	sor.u32 s1, s4  }
0xc1: {  	[hbm4b:s0+s6] =	stream.linear.scatter [tilespmem:s2], [sflag:$0x1], $0x80, $0x38;
	[tilespmem:$0x13700] =	vst v63  }
0xc2: {  	s30 =	sadd.s32 $0x180, s13;
	s20 =	spop (v2sf);
	s4 =	sadd.s32 $0x3000, s1  }
0xc3: {  	[hbm4b:s13+s6] =	stream.linear.scatter [tilespmem:s4], [sflag:$0x1], $0x80, $0x38;
	[tilespmem:$0x13700] =	vst v63  }
0xc4: {  	s21 =	sshll.u32 s20, $0x9;
	s22 =	sadd.s32 $0x3400, s1;
	s2 =	sshll.u32 s20, $0x7  }
0xc5: {  	[hbm4b:s15+s6] =	stream.linear.scatter [tilespmem:s22], [sflag:$0x1], $0x80, $0x38;
	[tilespmem:$0x13700] =	vst v63  }
.Ltmp3:
0xc6: {  	s2 =	sand.u32 $0x380, s2;
	s4 =	sand.u32 $0xFFFFF000, s21;
	(pc) =	sbr.rel @!p3 .LBB2_8-.Ltmp3, $4  }
0xc7: {  	s24 =	sadd.s32 $0x100, s13;
	s23 =	sadd.s32 $0x3800, s1;
	s2 =	sor.u32 s2, s4  }
0xc8: {  	[hbm4b:s24+s6] =	stream.linear.scatter [tilespmem:s23], [sflag:$0x1], $0x80, $0x38;
	[tilespmem:$0x13700] =	vst v63  }
0xc9: {  	s29 =	sadd.s32 $0x3C00, s1;
	s0 =	sadd.s32 s31, s25;
	s1 =	sadd.s32 $0x3000, s2  }
0xca: {  	(v2sf) =	vpush v0, $0xF;
	[hbm4b:s30+s6] =	stream.linear.scatter [tilespmem:s29], [sflag:$0x1], $0x80, $0x38;
	[tilespmem:$0x13700] =	vst v63  }
.LBB2_7:
0xcb: {  	_ =	sdelay $0x6  }
0xcc: {  	[hbm4b:s0+s6] =	stream.linear.scatter [tilespmem:s1], [sflag:$0x1], $0x80, $0x38;
	[tilespmem:$0x13700] =	vst v63  }
0xcd: {  	s4 =	sadd.s32 $0x80, s0;
	s15 =	sadd.s32 $0x3400, s2  }
0xce: {  	[hbm4b:s4+s6] =	stream.linear.scatter [tilespmem:s15], [sflag:$0x1], $0x80, $0x38;
	[tilespmem:$0x13700] =	vst v63  }
0xcf: {  	s5 =	sadd.s32 $0x100, s0;
	s20 =	sadd.s32 $0x3800, s2  }
0xd0: {  	[hbm4b:s5+s6] =	stream.linear.scatter [tilespmem:s20], [sflag:$0x1], $0x80, $0x38;
	[tilespmem:$0x13700] =	vst v63  }
0xd1: {  	s22 =	sadd.s32 $0x3C00, s2;
	s23 =	sadd.s32 $0x180, s0  }
0xd2: {  	[hbm4b:s23+s6] =	stream.linear.scatter [tilespmem:s22], [sflag:$0x1], $0x80, $0x38;
	[tilespmem:$0x13700] =	vst v63  }
0xd3: {  	s7 =	spop (v2sf)  }
0xd4: {  	s9 =	sshll.u32 s7, $0x9;
	s7 =	sshll.u32 s7, $0x7  }
0xd5: {  	s21 =	sand.u32 $0xFFFFF000, s9;
	s7 =	sand.u32 $0x380, s7  }
0xd6: {  	s24 =	sor.u32 s7, s21  }
0xd7: {  	s30 =	sadd.s32 s31, s19;
	s29 =	sadd.s32 $0x3000, s24  }
0xd8: {  	[hbm4b:s30+s6] =	stream.linear.scatter [tilespmem:s29], [sflag:$0x1], $0x80, $0x38;
	[tilespmem:$0x13700] =	vst v63  }
0xd9: {  	s7 =	sadd.s32 $0x80, s30;
	s5 =	sadd.s32 $0x3400, s24  }
0xda: {  	[hbm4b:s7+s6] =	stream.linear.scatter [tilespmem:s5], [sflag:$0x1], $0x80, $0x38;
	[tilespmem:$0x13700] =	vst v63  }
0xdb: {  	s9 =	sadd.s32 $0x100, s30;
	s8 =	sadd.s32 $0x3800, s24  }
0xdc: {  	[hbm4b:s9+s6] =	stream.linear.scatter [tilespmem:s8], [sflag:$0x1], $0x80, $0x38;
	[tilespmem:$0x13700] =	vst v63  }
0xdd: {  	s1 =	sadd.s32 $0x180, s30;
	s13 =	sadd.s32 $0x3C00, s24  }
0xde: {  	[hbm4b:s1+s6] =	stream.linear.scatter [tilespmem:s13], [sflag:$0x1], $0x80, $0x38;
	[tilespmem:$0x13700] =	vst v63  }
0xdf: {  	v0 =	vld [tilespmem:s10+$0x0];
	_ =	sdelay $0x4  }
0xe0: {  	s4 =	sadd.s32 $0xFFFFFFFF, s3;
	s15 =	sshrl.u32 s11, $0x3;
	(v2sf) =	vpush v0, $0x2  }
0xe1: {  	[dreg:$0xa] =	wrdreg s4;
	s0 =	smul.u32 $0x3000, s15;
	(v2sf) =	vpush v0, $0x0  }
0xe2: {  	s20 =	rddreg [dreg:$0x7];
	s22 =	sadd.s32 $0x10, s10;
	(v2sf) =	vpush v0, $0x1  }
0xe3: {  	s23 =	sadd.s32 $0x10, s11;
	[dreg:$0xb] =	wrdreg s22;
	s21 =	sadd.s32 s14, s0  }
0xe4: {  	p4 =	sne.s32 s3, $0x1;
	[dreg:$0xc] =	wrdreg s23;
	s29 =	sshrl.u32 s21, $0x3  }
0xe5: {  	s14 =	sadd.s32 s16, s29;
	s30 =	sadd.s32 s29, s12;
	s11 =	sadd.s32 s29, s25  }
0xe6: {  	s22 =	sadd.s32 s29, s19;
	s15 =	sadd.s32 $0x80, s14;
	s8 =	sadd.s32 $0x80, s11  }
0xe7: {  	[dreg:$0x12] =	wrdreg s8;
	s1 =	sadd.s32 s20, s0;
	s13 =	sadd.s32 s29, s18  }
0xe8: {  	s8 =	smov.u32 s18;
	s31 =	sshrl.u32 s1, $0x3;
	s9 =	sadd.s32 $0x80, s13;
	(v2sf) =	vpush v0, $0x3  }
0xe9: {  	s10 =	sadd.s32 s29, s17;
	s2 =	sadd.s32 s31, s25;
	s24 =	sadd.s32 s31, s18  }
0xea: {  	s1 =	sadd.s32 s31, s12;
	[dreg:$0xe] =	wrdreg s24;
	s0 =	sadd.s32 $0x80, s24  }
0xeb: {  	s7 =	sadd.s32 s31, s17;
	s3 =	sadd.s32 $0x80, s1;
	[dreg:$0xd] =	wrdreg s0  }
0xec: {  	s12 =	sadd.s32 s31, s28;
	s4 =	sadd.s32 $0x80, s7;
	[dreg:$0xf] =	wrdreg s3  }
0xed: {  	s23 =	sadd.s32 s31, s26;
	s5 =	sadd.s32 $0x80, s12;
	[dreg:$0x10] =	wrdreg s4  }
0xee: {  	s24 =	sadd.s32 s16, s31;
	[dreg:$0x11] =	wrdreg s5;
	s4 =	smov.u32 s16  }
0xef: {  	s5 =	smov.u32 s17;
	s0 =	smov.u32 s19;
	s20 =	spop (v2sf)  }
0xf0: {  	s17 =	sshll.u32 s20, $0x9;
	s16 =	sshll.u32 s20, $0x7;
	s21 =	spop (v2sf)  }
0xf1: {  	s3 =	sshll.u32 s21, $0x9;
	s18 =	sshll.u32 s21, $0x7;
	s20 =	spop (v2sf)  }
0xf2: {  	s17 =	sand.u32 $0xFFFFF000, s17;
	s16 =	sand.u32 $0x380, s16;
	s19 =	sand.u32 $0xFFFFF000, s3  }
0xf3: {  	s18 =	sand.u32 $0x380, s18;
	s21 =	sshll.u32 s20, $0x9;
	s16 =	sor.u32 s16, s17  }
0xf4: {  	(v2sf) =	vpush v0, $0x4;
	s18 =	sor.u32 s18, s19;
	s3 =	sand.u32 $0xFFFFF000, s21;
	s19 =	sshll.u32 s20, $0x7  }
0xf5: {  	s21 =	sadd.s32 $0x100, s14;
	s20 =	sadd.s32 $0x3000, s18;
	s19 =	sand.u32 $0x380, s19  }
0xf6: {  	[hbm4b:s14+s6] =	stream.linear.scatter [tilespmem:s20], [sflag:$0x1], $0x80, $0x38;
	[tilespmem:$0x13700] =	vst v63  }
0xf7: {  	s20 =	sadd.s32 $0x3400, s18;
	s3 =	sor.u32 s19, s3;
	s19 =	spop (v2sf)  }
0xf8: {  	[hbm4b:s15+s6] =	stream.linear.scatter [tilespmem:s20], [sflag:$0x1], $0x80, $0x38;
	[tilespmem:$0x13700] =	vst v63  }
0xf9: {  	s14 =	sadd.s32 $0x180, s14;
	s17 =	sshll.u32 s19, $0x9;
	s20 =	sadd.s32 $0x3800, s18  }
0xfa: {  	[hbm4b:s21+s6] =	stream.linear.scatter [tilespmem:s20], [sflag:$0x1], $0x80, $0x38;
	[tilespmem:$0x13700] =	vst v63  }
0xfb: {  	s19 =	sshll.u32 s19, $0x7;
	s15 =	sadd.s32 s29, s26;
	s21 =	sadd.s32 $0x3C00, s18  }
0xfc: {  	[hbm4b:s14+s6] =	stream.linear.scatter [tilespmem:s21], [sflag:$0x1], $0x80, $0x38;
	[tilespmem:$0x13700] =	vst v63  }
0xfd: {  	s17 =	sand.u32 $0xFFFFF000, s17;
	s18 =	sadd.s32 $0x3000, s3;
	s20 =	sadd.s32 $0x3400, s3  }
0xfe: {  	[hbm4b:s15+s6] =	stream.linear.scatter [tilespmem:s18], [sflag:$0x1], $0x80, $0x38;
	[tilespmem:$0x13700] =	vst v63  }
0xff: {  	s21 =	sadd.s32 $0x80, s15;
	s14 =	sadd.s32 s29, s28;
	s18 =	sadd.s32 $0x180, s15  }
0x100: {  	[hbm4b:s21+s6] =	stream.linear.scatter [tilespmem:s20], [sflag:$0x1], $0x80, $0x38;
	[tilespmem:$0x13700] =	vst v63  }
0x101: {  	(v2sf) =	vpush v0, $0x5;
	s20 =	sadd.s32 $0x3800, s3;
	s21 =	sadd.s32 $0x100, s15;
	s3 =	sadd.s32 $0x3C00, s3  }
0x102: {  	[hbm4b:s21+s6] =	stream.linear.scatter [tilespmem:s20], [sflag:$0x1], $0x80, $0x38;
	[tilespmem:$0x13700] =	vst v63  }
0x103: {  	s20 =	sand.u32 $0x380, s19;
	s21 =	sadd.s32 $0x3000, s16;
	s19 =	spop (v2sf)  }
0x104: {  	[hbm4b:s18+s6] =	stream.linear.scatter [tilespmem:s3], [sflag:$0x1], $0x80, $0x38;
	[tilespmem:$0x13700] =	vst v63  }
0x105: {  	s15 =	sor.u32 s20, s17;
	s17 =	sadd.s32 $0x3400, s16;
	s29 =	sshll.u32 s19, $0x9  }
0x106: {  	[hbm4b:s14+s6] =	stream.linear.scatter [tilespmem:s21], [sflag:$0x1], $0x80, $0x38;
	[tilespmem:$0x13700] =	vst v63  }
0x107: {  	s20 =	sadd.s32 $0x3800, s16;
	s18 =	sadd.s32 $0x80, s14;
	s29 =	sand.u32 $0xFFFFF000, s29  }
0x108: {  	[hbm4b:s18+s6] =	stream.linear.scatter [tilespmem:s17], [sflag:$0x1], $0x80, $0x38;
	[tilespmem:$0x13700] =	vst v63  }
0x109: {  	s21 =	sadd.s32 $0x100, s14;
	s14 =	sadd.s32 $0x180, s14;
	s17 =	sadd.s32 $0x3C00, s16  }
0x10a: {  	(v2sf) =	vpush v0, $0x6;
	[hbm4b:s21+s6] =	stream.linear.scatter [tilespmem:s20], [sflag:$0x1], $0x80, $0x38;
	[tilespmem:$0x13700] =	vst v63  }
0x10b: {  	s18 =	smov.u32 s8;
	s8 =	sadd.s32 $0x80, s10;
	s20 =	sshll.u32 s19, $0x7  }
0x10c: {  	s21 =	sadd.s32 $0x3000, s15;
	s19 =	smov.u32 s0;
	s0 =	smov.u32 s2  }
0x10d: {  	[hbm4b:s14+s6] =	stream.linear.scatter [tilespmem:s17], [sflag:$0x1], $0x80, $0x38;
	[tilespmem:$0x13700] =	vst v63  }
0x10e: {  	s2 =	sadd.s32 $0x3400, s15;
	s16 =	sand.u32 $0x380, s20;
	s20 =	sadd.s32 $0x100, s10  }
0x10f: {  	[hbm4b:s10+s6] =	stream.linear.scatter [tilespmem:s21], [sflag:$0x1], $0x80, $0x38;
	[tilespmem:$0x13700] =	vst v63  }
0x110: {  	s14 =	sor.u32 s16, s29;
	s17 =	sadd.s32 $0x3800, s15;
	s21 =	spop (v2sf)  }
0x111: {  	s29 =	sadd.s32 $0x3C00, s15;
	s10 =	sadd.s32 $0x180, s10;
	s16 =	sshll.u32 s21, $0x7  }
0x112: {  	[hbm4b:s8+s6] =	stream.linear.scatter [tilespmem:s2], [sflag:$0x1], $0x80, $0x38;
	[tilespmem:$0x13700] =	vst v63  }
0x113: {  	s2 =	sshll.u32 s21, $0x9;
	s8 =	sadd.s32 $0x3000, s14;
	s15 =	sand.u32 $0x380, s16  }
0x114: {  	(v2sf) =	vpush v0, $0x7;
	[hbm4b:s20+s6] =	stream.linear.scatter [tilespmem:s17], [sflag:$0x1], $0x80, $0x38;
	[tilespmem:$0x13700] =	vst v63  }
0x115: {  	s21 =	sadd.s32 $0x3800, s14;
	s16 =	smov.u32 s4;
	s4 =	sadd.s32 $0x3C00, s14  }
0x116: {  	[hbm4b:s10+s6] =	stream.linear.scatter [tilespmem:s29], [sflag:$0x1], $0x80, $0x38;
	[tilespmem:$0x13700] =	vst v63  }
0x117: {  	s17 =	sadd.s32 $0x3400, s14;
	s20 =	sadd.s32 $0x80, s30;
	s10 =	sand.u32 $0xFFFFF000, s2  }
0x118: {  	[hbm4b:s30+s6] =	stream.linear.scatter [tilespmem:s8], [sflag:$0x1], $0x80, $0x38;
	[tilespmem:$0x13700] =	vst v63  }
0x119: {  	s29 =	sadd.s32 $0x100, s30;
	s2 =	spop (v2sf);
	s10 =	sor.u32 s15, s10  }
0x11a: {  	(v2sf) =	vpush v0, $0x8;
	[hbm4b:s20+s6] =	stream.linear.scatter [tilespmem:s17], [sflag:$0x1], $0x80, $0x38;
	[tilespmem:$0x13700] =	vst v63  }
0x11b: {  	s8 =	sadd.s32 $0x180, s30;
	s15 =	sadd.s32 $0x3000, s10;
	s30 =	sadd.s32 $0x3800, s10  }
0x11c: {  	[hbm4b:s29+s6] =	stream.linear.scatter [tilespmem:s21], [sflag:$0x1], $0x80, $0x38;
	[tilespmem:$0x13700] =	vst v63  }
0x11d: {  	s20 =	sshll.u32 s2, $0x9;
	s17 =	smov.u32 s5;
	s5 =	sadd.s32 $0x3C00, s10  }
0x11e: {  	[hbm4b:s8+s6] =	stream.linear.scatter [tilespmem:s4], [sflag:$0x1], $0x80, $0x38;
	[tilespmem:$0x13700] =	vst v63  }
0x11f: {  	s14 =	sand.u32 $0xFFFFF000, s20;
	s21 =	sshll.u32 s2, $0x7;
	s29 =	sadd.s32 $0x3400, s10  }
0x120: {  	[hbm4b:s13+s6] =	stream.linear.scatter [tilespmem:s15], [sflag:$0x1], $0x80, $0x38;
	[tilespmem:$0x13700] =	vst v63  }
0x121: {  	(v2sf) =	vpush v0, $0x9;
	s2 =	sadd.s32 $0x100, s13;
	s8 =	sadd.s32 $0x180, s13;
	s15 =	sand.u32 $0x380, s21  }
0x122: {  	[hbm4b:s9+s6] =	stream.linear.scatter [tilespmem:s29], [sflag:$0x1], $0x80, $0x38;
	[tilespmem:$0x13700] =	vst v63  }
0x123: {  	s21 =	rddreg [dreg:$0x12];
	s14 =	sor.u32 s15, s14;
	s9 =	spop (v2sf)  }
0x124: {  	s13 =	sadd.s32 $0x3000, s14;
	s15 =	sshll.u32 s9, $0x9;
	s10 =	sshll.u32 s9, $0x7  }
0x125: {  	[hbm4b:s2+s6] =	stream.linear.scatter [tilespmem:s30], [sflag:$0x1], $0x80, $0x38;
	[tilespmem:$0x13700] =	vst v63  }
0x126: {  	s20 =	sadd.s32 $0x3400, s14;
	s4 =	sand.u32 $0xFFFFF000, s15;
	s10 =	sand.u32 $0x380, s10  }
0x127: {  	s29 =	sadd.s32 $0x3800, s14;
	s30 =	sadd.s32 $0x100, s11;
	s4 =	sor.u32 s10, s4  }
0x128: {  	[hbm4b:s8+s6] =	stream.linear.scatter [tilespmem:s5], [sflag:$0x1], $0x80, $0x38;
	[tilespmem:$0x13700] =	vst v63  }
0x129: {  	s9 =	spop (v2sf);
	s5 =	sadd.s32 $0x3C00, s14;
	s14 =	rddreg [dreg:$0x8]  }
0x12a: {  	[hbm4b:s11+s6] =	stream.linear.scatter [tilespmem:s13], [sflag:$0x1], $0x80, $0x38;
	[tilespmem:$0x13700] =	vst v63  }
0x12b: {  	(v2sf) =	vpush v0, $0xA;
	s8 =	sadd.s32 $0x180, s11;
	s10 =	sshll.u32 s9, $0x7;
	s13 =	sshll.u32 s9, $0x9  }
0x12c: {  	s15 =	sadd.s32 $0x3400, s4;
	s10 =	sand.u32 $0x380, s10;
	s3 =	sand.u32 $0xFFFFF000, s13  }
0x12d: {  	[hbm4b:s21+s6] =	stream.linear.scatter [tilespmem:s20], [sflag:$0x1], $0x80, $0x38;
	[tilespmem:$0x13700] =	vst v63  }
0x12e: {  	s11 =	sadd.s32 $0x3000, s4;
	s20 =	sadd.s32 $0x80, s22;
	s9 =	sor.u32 s10, s3  }
0x12f: {  	[hbm4b:s30+s6] =	stream.linear.scatter [tilespmem:s29], [sflag:$0x1], $0x80, $0x38;
	[tilespmem:$0x13700] =	vst v63  }
0x130: {  	s21 =	sadd.s32 $0x3800, s4;
	s10 =	sadd.s32 $0x3000, s9;
	s30 =	spop (v2sf)  }
0x131: {  	[hbm4b:s8+s6] =	stream.linear.scatter [tilespmem:s5], [sflag:$0x1], $0x80, $0x38;
	[tilespmem:$0x13700] =	vst v63  }
0x132: {  	s2 =	sadd.s32 $0x3C00, s9;
	s29 =	sadd.s32 $0x100, s22;
	s13 =	sshll.u32 s30, $0x7  }
0x133: {  	(v2sf) =	vpush v0, $0xB;
	[hbm4b:s22+s6] =	stream.linear.scatter [tilespmem:s11], [sflag:$0x1], $0x80, $0x38;
	[tilespmem:$0x13700] =	vst v63  }
0x134: {  	s5 =	sadd.s32 $0x3C00, s4;
	s8 =	sadd.s32 $0x180, s22;
	s11 =	sshll.u32 s30, $0x9  }
0x135: {  	[hbm4b:s20+s6] =	stream.linear.scatter [tilespmem:s15], [sflag:$0x1], $0x80, $0x38;
	[tilespmem:$0x13700] =	vst v63  }
0x136: {  	s4 =	sand.u32 $0x380, s13;
	s22 =	sadd.s32 $0x100, s24;
	s3 =	sand.u32 $0xFFFFF000, s11  }
0x137: {  	[hbm4b:s29+s6] =	stream.linear.scatter [tilespmem:s21], [sflag:$0x1], $0x80, $0x38;
	[tilespmem:$0x13700] =	vst v63  }
0x138: {  	s30 =	sadd.s32 $0x180, s24;
	s15 =	sadd.s32 $0x3400, s9;
	s3 =	sor.u32 s4, s3  }
0x139: {  	[hbm4b:s8+s6] =	stream.linear.scatter [tilespmem:s5], [sflag:$0x1], $0x80, $0x38;
	[tilespmem:$0x13700] =	vst v63  }
0x13a: {  	s20 =	sadd.s32 $0x80, s24;
	s13 =	sadd.s32 $0x3400, s3;
	s29 =	spop (v2sf)  }
0x13b: {  	[hbm4b:s24+s6] =	stream.linear.scatter [tilespmem:s10], [sflag:$0x1], $0x80, $0x38;
	[tilespmem:$0x13700] =	vst v63  }
0x13c: {  	s21 =	sadd.s32 $0x3800, s9;
	s11 =	sshll.u32 s29, $0x7;
	s5 =	sshll.u32 s29, $0x9  }
0x13d: {  	[hbm4b:s20+s6] =	stream.linear.scatter [tilespmem:s15], [sflag:$0x1], $0x80, $0x38;
	[tilespmem:$0x13700] =	vst v63  }
0x13e: {  	s8 =	sadd.s32 $0x3000, s3;
	s9 =	sand.u32 $0xFFFFF000, s5;
	s10 =	sand.u32 $0x380, s11  }
0x13f: {  	(v2sf) =	vpush v0, $0xC;
	[hbm4b:s22+s6] =	stream.linear.scatter [tilespmem:s21], [sflag:$0x1], $0x80, $0x38;
	[tilespmem:$0x13700] =	vst v63  }
0x140: {  	s11 =	rddreg [dreg:$0xc];
	s4 =	sor.u32 s10, s9;
	s15 =	sadd.s32 $0x80, s23  }
0x141: {  	[hbm4b:s30+s6] =	stream.linear.scatter [tilespmem:s2], [sflag:$0x1], $0x80, $0x38;
	[tilespmem:$0x13700] =	vst v63  }
0x142: {  	s20 =	sadd.s32 $0x3800, s3;
	s29 =	sadd.s32 $0x3000, s4;
	s24 =	spop (v2sf)  }
0x143: {  	[hbm4b:s23+s6] =	stream.linear.scatter [tilespmem:s8], [sflag:$0x1], $0x80, $0x38;
	[tilespmem:$0x13700] =	vst v63  }
0x144: {  	s5 =	sadd.s32 $0x3400, s4;
	s21 =	sadd.s32 $0x100, s23;
	s10 =	sshll.u32 s24, $0x7  }
0x145: {  	[hbm4b:s15+s6] =	stream.linear.scatter [tilespmem:s13], [sflag:$0x1], $0x80, $0x38;
	[tilespmem:$0x13700] =	vst v63  }
0x146: {  	s22 =	sadd.s32 $0x3C00, s3;
	s10 =	sand.u32 $0x380, s10;
	s30 =	sshll.u32 s24, $0x9  }
0x147: {  	(v2sf) =	vpush v0, $0xD;
	[hbm4b:s21+s6] =	stream.linear.scatter [tilespmem:s20], [sflag:$0x1], $0x80, $0x38;
	[tilespmem:$0x13700] =	vst v63  }
0x148: {  	s3 =	sand.u32 $0xFFFFF000, s30;
	s23 =	sadd.s32 $0x180, s23;
	s8 =	rddreg [dreg:$0x11]  }
0x149: {  	[hbm4b:s23+s6] =	stream.linear.scatter [tilespmem:s22], [sflag:$0x1], $0x80, $0x38;
	[tilespmem:$0x13700] =	vst v63  }
0x14a: {  	s9 =	sadd.s32 $0x3800, s4;
	s3 =	sor.u32 s10, s3;
	s10 =	rddreg [dreg:$0xb]  }
0x14b: {  	[hbm4b:s12+s6] =	stream.linear.scatter [tilespmem:s29], [sflag:$0x1], $0x80, $0x38;
	[tilespmem:$0x13700] =	vst v63  }
0x14c: {  	s24 =	sadd.s32 $0x3400, s3;
	s30 =	sadd.s32 $0x3800, s3;
	s13 =	sadd.s32 $0x100, s12  }
0x14d: {  	[hbm4b:s8+s6] =	stream.linear.scatter [tilespmem:s5], [sflag:$0x1], $0x80, $0x38;
	[tilespmem:$0x13700] =	vst v63  }
0x14e: {  	s15 =	sadd.s32 $0x3C00, s4;
	s20 =	sadd.s32 $0x180, s12;
	s21 =	spop (v2sf)  }
0x14f: {  	[hbm4b:s13+s6] =	stream.linear.scatter [tilespmem:s9], [sflag:$0x1], $0x80, $0x38;
	[tilespmem:$0x13700] =	vst v63  }
0x150: {  	s22 =	sadd.s32 $0x3000, s3;
	s23 =	sshll.u32 s21, $0x9;
	s5 =	sshll.u32 s21, $0x7  }
0x151: {  	(v2sf) =	vpush v0, $0xE;
	[hbm4b:s20+s6] =	stream.linear.scatter [tilespmem:s15], [sflag:$0x1], $0x80, $0x38;
	[tilespmem:$0x13700] =	vst v63  }
0x152: {  	s4 =	sand.u32 $0xFFFFF000, s23;
	s12 =	rddreg [dreg:$0x9];
	s5 =	sand.u32 $0x380, s5  }
0x153: {  	[hbm4b:s7+s6] =	stream.linear.scatter [tilespmem:s22], [sflag:$0x1], $0x80, $0x38;
	[tilespmem:$0x13700] =	vst v63  }
0x154: {  	s29 =	rddreg [dreg:$0x10];
	s8 =	sadd.s32 $0x100, s7;
	s4 =	sor.u32 s5, s4  }
0x155: {  	[hbm4b:s29+s6] =	stream.linear.scatter [tilespmem:s24], [sflag:$0x1], $0x80, $0x38;
	[tilespmem:$0x13700] =	vst v63  }
0x156: {  	s13 =	sadd.s32 $0x3C00, s3;
	s9 =	sadd.s32 $0x180, s1;
	s20 =	spop (v2sf)  }
0x157: {  	[hbm4b:s8+s6] =	stream.linear.scatter [tilespmem:s30], [sflag:$0x1], $0x80, $0x38;
	[tilespmem:$0x13700] =	vst v63  }
0x158: {  	s15 =	sadd.s32 $0x180, s7;
	s5 =	sshll.u32 s20, $0x7;
	s22 =	sshll.u32 s20, $0x9  }
0x159: {  	[hbm4b:s15+s6] =	stream.linear.scatter [tilespmem:s13], [sflag:$0x1], $0x80, $0x38;
	[tilespmem:$0x13700] =	vst v63  }
0x15a: {  	s21 =	sadd.s32 $0x3000, s4;
	s5 =	sand.u32 $0x380, s5;
	s3 =	sand.u32 $0xFFFFF000, s22  }
0x15b: {  	[hbm4b:s1+s6] =	stream.linear.scatter [tilespmem:s21], [sflag:$0x1], $0x80, $0x38;
	[tilespmem:$0x13700] =	vst v63  }
0x15c: {  	s23 =	sadd.s32 $0x3400, s4;
	s24 =	rddreg [dreg:$0xf];
	s3 =	sor.u32 s5, s3  }
0x15d: {  	[hbm4b:s24+s6] =	stream.linear.scatter [tilespmem:s23], [sflag:$0x1], $0x80, $0x38;
	[tilespmem:$0x13700] =	vst v63  }
0x15e: {  	s29 =	sadd.s32 $0x3800, s4;
	s22 =	sadd.s32 $0x3400, s3;
	s30 =	sadd.s32 $0x100, s1  }
0x15f: {  	[hbm4b:s30+s6] =	stream.linear.scatter [tilespmem:s29], [sflag:$0x1], $0x80, $0x38;
	[tilespmem:$0x13700] =	vst v63  }
0x160: {  	s8 =	sadd.s32 $0x3C00, s4;
	s13 =	spop (v2sf);
	s15 =	sadd.s32 $0x3000, s3  }
0x161: {  	[hbm4b:s9+s6] =	stream.linear.scatter [tilespmem:s8], [sflag:$0x1], $0x80, $0x38;
	[tilespmem:$0x13700] =	vst v63  }
0x162: {  	s20 =	sshll.u32 s13, $0x9;
	s5 =	sshll.u32 s13, $0x7;
	s21 =	rddreg [dreg:$0xe]  }
0x163: {  	[hbm4b:s21+s6] =	stream.linear.scatter [tilespmem:s15], [sflag:$0x1], $0x80, $0x38;
	[tilespmem:$0x13700] =	vst v63  }
0x164: {  	s4 =	sand.u32 $0xFFFFF000, s20;
	s5 =	sand.u32 $0x380, s5;
	s23 =	rddreg [dreg:$0xd]  }
0x165: {  	[hbm4b:s23+s6] =	stream.linear.scatter [tilespmem:s22], [sflag:$0x1], $0x80, $0x38;
	[tilespmem:$0x13700] =	vst v63  }
.Ltmp4:
0x166: {  	s24 =	sadd.s32 $0x3800, s3;
	s29 =	sadd.s32 $0x100, s21;
	(pc) =	sbr.rel @p4 .LBB2_7-.Ltmp4, $4  }
0x167: {  	[hbm4b:s29+s6] =	stream.linear.scatter [tilespmem:s24], [sflag:$0x1], $0x80, $0x38;
	[tilespmem:$0x13700] =	vst v63  }
0x168: {  	s2 =	sor.u32 s5, s4;
	s3 =	sadd.s32 $0x3C00, s3;
	s30 =	sadd.s32 $0x180, s21  }
0x169: {  	[hbm4b:s30+s6] =	stream.linear.scatter [tilespmem:s3], [sflag:$0x1], $0x80, $0x38;
	[tilespmem:$0x13700] =	vst v63  }
0x16a: {  	(v2sf) =	vpush v0, $0xF;
	s1 =	sadd.s32 $0x3000, s2;
	s3 =	rddreg [dreg:$0xa]  }
.LBB2_8:
0x16b: {  	_ =	sdelay $0x6  }
0x16c: {  	[hbm4b:s0+s6] =	stream.linear.scatter [tilespmem:s1], [sflag:$0x1], $0x80, $0x38;
	[tilespmem:$0x13700] =	vst v63  }
0x16d: {  	s3 =	sadd.s32 $0x80, s0;
	s9 =	sadd.s32 $0x3400, s2  }
0x16e: {  	[hbm4b:s3+s6] =	stream.linear.scatter [tilespmem:s9], [sflag:$0x1], $0x80, $0x38;
	[tilespmem:$0x13700] =	vst v63  }
0x16f: {  	s4 =	sadd.s32 $0x100, s0;
	s10 =	sadd.s32 $0x3800, s2  }
0x170: {  	[hbm4b:s4+s6] =	stream.linear.scatter [tilespmem:s10], [sflag:$0x1], $0x80, $0x38;
	[tilespmem:$0x13700] =	vst v63  }
0x171: {  	s13 =	sadd.s32 $0x3C00, s2;
	s15 =	sadd.s32 $0x180, s0  }
0x172: {  	[hbm4b:s15+s6] =	stream.linear.scatter [tilespmem:s13], [sflag:$0x1], $0x80, $0x38;
	[tilespmem:$0x13700] =	vst v63  }
0x173: {  	s5 =	spop (v2sf)  }
0x174: {  	s7 =	sshll.u32 s5, $0x9;
	s5 =	sshll.u32 s5, $0x7  }
0x175: {  	s11 =	sand.u32 $0xFFFFF000, s7;
	s5 =	sand.u32 $0x380, s5  }
0x176: {  	s20 =	sor.u32 s5, s11  }
0x177: {  	s22 =	sadd.s32 s31, s19;
	s21 =	sadd.s32 $0x3000, s20  }
0x178: {  	[hbm4b:s22+s6] =	stream.linear.scatter [tilespmem:s21], [sflag:$0x1], $0x80, $0x38;
	[tilespmem:$0x13700] =	vst v63  }
0x179: {  	s24 =	sadd.s32 $0x80, s22;
	s23 =	sadd.s32 $0x3400, s20  }
0x17a: {  	[hbm4b:s24+s6] =	stream.linear.scatter [tilespmem:s23], [sflag:$0x1], $0x80, $0x38;
	[tilespmem:$0x13700] =	vst v63  }
0x17b: {  	s30 =	sadd.s32 $0x100, s22;
	s29 =	sadd.s32 $0x3800, s20  }
0x17c: {  	[hbm4b:s30+s6] =	stream.linear.scatter [tilespmem:s29], [sflag:$0x1], $0x80, $0x38;
	[tilespmem:$0x13700] =	vst v63  }
0x17d: {  	s1 =	sadd.s32 $0x180, s22;
	s31 =	sadd.s32 $0x3C00, s20  }
0x17e: {  	[hbm4b:s1+s6] =	stream.linear.scatter [tilespmem:s31], [sflag:$0x1], $0x80, $0x38;
	[tilespmem:$0x13700] =	vst v63  }
.Ltmp5:
0x17f: {  	_ = 	snop;
	(pc) =	sbr.rel @!p3 .LBB2_10-.Ltmp5, $4  }
0x180: {  	s1 =	simm.s32 $0x1  }
0x181: {  	_ =	swait.ge [sflag:s1], $0x2000  }
0x182: {  	s10 =	rddreg [dreg:$0x18]  }
0x183: {  	[sflag:s1] =	ssyncset.done $0x0;
	s0 =	sadd.s32 $0xFFFFFFFF, s10  }
.LBB2_9:
0x184: {  	p3 =	sne.s32 s0, $0x1;
	s0 =	sadd.s32 $0xFFFFFFFF, s0;
	[sflag:s1] =	ssyncadd.s32 $0xFFFFE000  }
.Ltmp6:
0x185: {  	(pc) =	sbr.rel @p3 .LBB2_9-.Ltmp6, $3  }
0x186: {  	_ =	sdelay $0x1  }
0x187: {  	_ =	swait.ge [sflag:s1], $0x2000  }
0x188: {  	[sflag:s1] =	ssyncset.done $0x0  }
.LBB2_10:
0x189: {  	s2 =	rddreg [dreg:$0x1d]  }
0x18a: {  	s0 =	rddreg [dreg:$0x19];
	s2 =	sadd.s32 $0x1, s2  }
0x18b: {  	p3 =	sne.s32 s2, s0  }
.Ltmp7:
0x18c: {  	_ = 	snop;
	(pc) =	sbr.rel @p3 .LBB2_1-.Ltmp7, $2  }
0x18d: {  	_ =	sdelay $0x2  }
0x18e: {  	[sflag:s1] =	ssyncadd.s32 $0xFFFFE000;
	s4 =	simm.s32 $0x2  }
0x18f: {  	_ =	sfence.sel $0x180000  }
0x190: {  	[bflag:$0x0] =	sbarrier.arrive $0xFFFF  }
0x191: {  	_ =	strace $0x90000047  }
0x192: {  	[bflag:$0x2] =	sbarrier.arrive $0xFFFF  }
0x193: {  	s0 =	rddreg [dreg:$0x6]  }
0x194: {  	s0 =	sadd.s32 @!p1 $0x100000, s0  }
0x195: {  	[sflag:s0] =	ssyncadd.tile.s32 @!p1 $0x1;
	_ =	shalt  }
.Lfunc_end2:
_tile_overlayer_lowered:
.L_overlay_start_2:
0x196: {  	(tag) =	ssettag $0x2  }
0x197: {  	s0 =	rddreg [dreg:$0x0];
	s2 =	stileid.u32  }
0x198: {  	s1 =	rddreg [dreg:$0x1];
	p0 =	sne.s32 s2, $0x0  }
0x199: {  	s3 =	rddreg [dreg:$0x2];
	[bflag:$0x3] =	sbarrier.arrive $0xFFFF;
	s2 =	simm.s32 @!p0 $0x1C02  }
0x19a: {  	[timem:s3], [sflag:s2] =	dma.local @!p0 [hbm:s0], s1  }
0x19b: {  	s0 =	simm.s32 @!p0 $0x2  }
0x19c: {  	_ =	swait.ge @!p0 [sflag:s0], s1  }
0x19d: {  	s1 =	ssub.s32 @!p0 $0x0, s1;
	[sflag:s0] =	ssyncset.done @!p0 $0x0  }
0x19e: {  	[sflag:s0] =	ssyncadd.s32 @!p0 s1  }
0x19f: {  	[bflag:$0x3] =	sbarrier.arrive $0xFFFF  }
0x1a0: {  	_ =	shalt  }

</sc_bundles>
